<compile_context>
chip_gen: v7x
topology: tpu7x:2x2x1
jax: 0.10.2.dev20260603
libtpu: 0.0.44.dev20260713+nightly
codegen_flags: <defaults>
</compile_context>

<pallas_src>
import functools

import jax
import jax.numpy as jnp
from jax import lax
from jax.experimental import pallas as pl
from jax.experimental.pallas import tpu as pltpu
from jax.experimental.pallas import tpu_sc as plsc

_NC = 2
_NS = 16
_NW = _NC * _NS

_LANES = 128
_FPAD = 4
_BSUB = 8
_VL = 16


def _sc_gather(table, x_idx, n_slabs, chunk):
    batch, n_fields = x_idx.shape
    d = table.shape[1]
    f_pad = n_slabs * _FPAD
    samples_w = batch // _NW
    per_w = samples_w * f_pad
    n_chunks = per_w // chunk
    n_vecs = per_w // _VL
    assert batch % _NW == 0 and per_w % chunk == 0 and n_chunks % 2 == 0

    mesh = plsc.VectorSubcoreMesh(core_axis_name="c", subcore_axis_name="s")

    @functools.partial(
        pl.kernel,
        mesh=mesh,
        out_type=jax.ShapeDtypeStruct((batch * f_pad, d), jnp.float32),
        scratch_types=[
            pltpu.VMEM((samples_w, n_fields), jnp.int32),
            pltpu.VMEM((per_w,), jnp.int32),
            pltpu.VMEM((2, chunk, d), jnp.float32),
            pltpu.SemaphoreType.DMA,
            pltpu.SemaphoreType.DMA,
        ],
        compiler_params=pltpu.CompilerParams(
            use_tc_tiling_on_sc=False, needs_layout_passes=False
        ),
    )
    def gather_kernel(table_hbm, x_hbm, out_hbm, xv, idx_v, rows_v, sem0, sem1):
        wid = lax.axis_index("s") * _NC + lax.axis_index("c")
        base = wid * per_w
        s_base = wid * samples_w
        pltpu.sync_copy(x_hbm.at[pl.ds(s_base, samples_w)], xv)

        lane = lax.iota(jnp.int32, _VL)
        lane_bsub = jnp.bitwise_and(jnp.right_shift(lane, 2), 3)
        lane_fsub = jnp.bitwise_and(lane, 3)

        def permute_g(g, carry):
            def permute_jt(jt, carry2):
                def permute_half(half, carry3):
                    bsub = half * (_VL // _FPAD) + lane_bsub
                    s = g * _BSUB + bsub
                    f = jt * _FPAD + lane_fsub
                    f = jnp.where(f < n_fields, f, f - n_fields)
                    vals = plsc.load_gather(xv, [s, f])
                    off = ((g * n_slabs + jt) * (_BSUB * _FPAD)) + half * _VL
                    idx_v[pl.ds(off, _VL)] = vals
                    return carry3

                return lax.fori_loop(0, _BSUB * _FPAD // _VL, permute_half, carry2)

            return lax.fori_loop(0, n_slabs, permute_jt, carry)

        lax.fori_loop(0, samples_w // _BSUB, permute_g, 0)

        sems = (sem0, sem1)

        def start(c, slot):
            pltpu.async_copy(
                table_hbm.at[idx_v.at[pl.ds(c * chunk, chunk)]],
                rows_v.at[slot],
                sems[slot],
            )

        def drain(c, slot):
            pltpu.make_async_copy(
                table_hbm.at[idx_v.at[pl.ds(c * chunk, chunk)]],
                rows_v.at[slot],
                sems[slot],
            ).wait()
            pltpu.sync_copy(
                rows_v.at[slot],
                out_hbm.at[pl.ds(base + c * chunk, chunk)],
            )

        start(0, 0)

        def body(cc, carry):
            c0 = 2 * cc
            start(c0 + 1, 1)
            drain(c0, 0)

            @pl.when(c0 + 2 < n_chunks)
            def _():
                start(c0 + 2, 0)

            drain(c0 + 1, 1)
            return carry

        lax.fori_loop(0, n_chunks // 2, body, 0)

    return gather_kernel(table, x_idx)


def _tc_transpose_table(table_t, block_n):
    d, vocab = table_t.shape
    out_rows = vocab * d // _LANES
    rows_per_block = block_n * d // _LANES
    n_blocks = -(-vocab // block_n)

    pack = _LANES // d

    def body(x_ref, o_ref):
        xt = x_ref[...].T
        xt3 = xt.reshape(rows_per_block, pack, d)
        for s in range(pack):
            o_ref[:, s * d : (s + 1) * d] = xt3[:, s, :]

    return pl.pallas_call(
        body,
        grid=(n_blocks,),
        in_specs=[pl.BlockSpec((d, block_n), lambda i: (0, i))],
        out_specs=pl.BlockSpec((rows_per_block, _LANES), lambda i: (i, 0)),
        out_shape=jax.ShapeDtypeStruct((out_rows, _LANES), jnp.float32),
        compiler_params=pltpu.CompilerParams(fuse_transposed_lhs_in_matmul=True),
    )(table_t)


def _tc_mlp(emb4, w1p, b1, w2, b2, w3, b3, block_g):
    n_groups, n_slabs, _, _ = emb4.shape
    h1 = w1p.shape[2]
    h2 = w2.shape[1]
    out = w3.shape[1]
    batch = n_groups * _BSUB
    block_m = block_g * _BSUB

    def body(x_ref, w1_ref, b1_ref, w2_ref, b2_ref, w3_ref, b3_ref, o_ref):
        acc = jnp.zeros((block_m, h1), jnp.float32)
        for jt in range(n_slabs):
            xj = x_ref[:, jt].reshape(block_m, _LANES)
            acc = acc + jnp.dot(
                xj, w1_ref[jt], preferred_element_type=jnp.float32
            )
        x = jnp.maximum(acc + b1_ref[...], 0.0)
        x = jnp.dot(x, w2_ref[...], preferred_element_type=jnp.float32)
        x = jnp.maximum(x + b2_ref[...], 0.0)
        o_ref[...] = (
            jnp.dot(x, w3_ref[...], preferred_element_type=jnp.float32)
            + b3_ref[...]
        )

    return pl.pallas_call(
        body,
        grid=(n_groups // block_g,),
        in_specs=[
            pl.BlockSpec((block_g, n_slabs, _BSUB, _LANES), lambda i: (i, 0, 0, 0)),
            pl.BlockSpec((n_slabs, _LANES, h1), lambda i: (0, 0, 0)),
            pl.BlockSpec((1, h1), lambda i: (0, 0)),
            pl.BlockSpec((h1, h2), lambda i: (0, 0)),
            pl.BlockSpec((1, h2), lambda i: (0, 0)),
            pl.BlockSpec((h2, out), lambda i: (0, 0)),
            pl.BlockSpec((1, out), lambda i: (0, 0)),
        ],
        out_specs=pl.BlockSpec((block_m, out), lambda i: (i, 0)),
        out_shape=jax.ShapeDtypeStruct((batch, out), jnp.float32),
    )(emb4, w1p, b1, w2, b2, w3, b3)


def kernel(X, table, W1, b1, W2, b2, W3, b3):
    batch, n_fields = X.shape
    d = table.shape[1]
    in_dim = n_fields * d
    h1 = W1.shape[1]
    n_slabs = -(-n_fields // _FPAD)
    n_groups = batch // _BSUB

    table_lin = _tc_transpose_table(table.T, block_n=16384)
    table_rm = table_lin.reshape(table.shape[0], d)

    emb2 = _sc_gather(table_rm, X.astype(jnp.int32), n_slabs, chunk=1024)
    emb4 = emb2.reshape(n_groups, n_slabs, _BSUB, _LANES)

    w1p = jnp.concatenate(
        [W1, jnp.zeros((n_slabs * _LANES - in_dim, h1), W1.dtype)], axis=0
    ).reshape(n_slabs, _LANES, h1)

    return _tc_mlp(
        emb4,
        w1p,
        b1.reshape(1, -1),
        W2,
        b2.reshape(1, -1),
        W3,
        b3.reshape(1, -1),
        block_g=128,
    )

# --- scband reference (transcript-rebuilt; emitter-appended) ---
"""Pipeline reference for scband-embedding-nn-37529424232696 (READ-ONLY COPY).

The authoritative reference and input builder live on the scoring server;
editing this copy changes nothing except your own understanding.
"""

import jax, jax.numpy as jnp
import numpy as np

VOCAB = 1000000
EMBED_DIM = 32
N_FIELDS = 26
BATCH = 16384
H1 = 256
H2 = 64
OUT = 1

def setup_inputs(seed: int = 0) -> dict:
    key = jax.random.key(seed)
    k_idx, k_tab, k1, k2, k3 = jax.random.split(key, 5)
    X = jax.random.randint(k_idx, (BATCH, N_FIELDS), 0, VOCAB, dtype=jnp.int64)
    table = jax.random.normal(k_tab, (VOCAB, EMBED_DIM), dtype=jnp.float32) * 0.01
    in_dim = N_FIELDS * EMBED_DIM
    W1 = jax.random.normal(k1, (in_dim, H1), dtype=jnp.float32) * (1.0 / np.sqrt(in_dim))
    b1 = jnp.zeros((H1,), dtype=jnp.float32)
    W2 = jax.random.normal(k2, (H1, H2), dtype=jnp.float32) * (1.0 / np.sqrt(H1))
    b2 = jnp.zeros((H2,), dtype=jnp.float32)
    W3 = jax.random.normal(k3, (H2, OUT), dtype=jnp.float32) * (1.0 / np.sqrt(H2))
    b3 = jnp.zeros((OUT,), dtype=jnp.float32)
    return {"X": X, "table": table, "W1": W1, "b1": b1, "W2": W2, "b2": b2, "W3": W3, "b3": b3}

def reference(X, table, W1, b1, W2, b2, W3, b3):
    # Embedding lookup (SparseCore gather): [B, F] -> [B, F, D]
    emb = jnp.take(table, X, axis=0)
    # Flatten per-sample embeddings to feed linear layers: [B, F*D]
    h = emb.reshape((-1, N_FIELDS * EMBED_DIM))
    h = jax.nn.relu(h @ W1 + b1)
    h = jax.nn.relu(h @ W2 + b2)
    y = h @ W3 + b3
    return y

if __name__ == "__main__":
    import jax
    _d = setup_inputs()
    print(jax.jit(kernel)(*tuple(_d.values())))

</pallas_src>

<mosaic_0001>
#map = affine_map<(d0, d1) -> (0, 0)>
module attributes {stable_mosaic.version = 14 : i64} {
  func.func @gather_kernel(%arg0: i32, %arg1: i32, %arg2: memref<1000000x32xf32, #tpu.memory_space<hbm>>, %arg3: memref<16384x26xi32, #tpu.memory_space<hbm>>, %arg4: memref<458752x32xf32, #tpu.memory_space<hbm>>, %arg5: memref<512x26xi32, #tpu.memory_space<vmem>>, %arg6: memref<14336xi32, #tpu.memory_space<vmem>>, %arg7: memref<2x1024x32xf32, #tpu.memory_space<vmem>>, %arg8: memref<!tpu.dma_semaphore, #tpu.memory_space<semaphore_mem>>, %arg9: memref<!tpu.dma_semaphore, #tpu.memory_space<semaphore_mem>>) attributes {dimension_semantics = [#tpu.dimension_semantics<core_parallel>, #tpu.dimension_semantics<subcore_parallel>], iteration_bounds = array<i64: 2, 16>, scalar_prefetch = 0 : i64, scratch_operands = 5 : i64, tpu.core_type = #tpu.core_type<sc_vector_subcore>, window_params = [{transform_indices = #map}, {transform_indices = #map}, {transform_indices = #map}]} {
    %mul3A = arith.constant 2 : i32
    %mul3A_0 = arith.muli %arg1, %mul3A : i32
    %add3A = arith.addi %mul3A_0, %arg0 : i32
    %mul3A_1 = arith.constant 14336 : i32
    %mul3A_2 = arith.muli %add3A, %mul3A_1 : i32
    %mul3A_3 = arith.constant 512 : i32
    %mul3A_4 = arith.muli %add3A, %mul3A_3 : i32
    "tpu.region"() ({
      %run_scoped3A = tpu.sem_alloc : memref<!tpu.dma_semaphore, #tpu.memory_space<semaphore_mem>>
      %dma_start3A_32 = arith.constant 0 : i32
      %dma_start3A_33 = tpu.memref_slice %arg3[%mul3A_4, %dma_start3A_32] : memref<16384x26xi32, #tpu.memory_space<hbm>> -> memref<512x26xi32, #tpu.memory_space<hbm>>
      %dma_start3A_34 = arith.constant 0 : i32
      %dma_start3A_35 = tpu.memref_slice %arg3[%mul3A_4, %dma_start3A_34] : memref<16384x26xi32, #tpu.memory_space<hbm>> -> memref<512x26xi32, #tpu.memory_space<hbm>>
      tpu.enqueue_dma source(%dma_start3A_35 : memref<512x26xi32, #tpu.memory_space<hbm>>) target(%arg5 : memref<512x26xi32, #tpu.memory_space<vmem>>) target_semaphore(%run_scoped3A : memref<!tpu.dma_semaphore, #tpu.memory_space<semaphore_mem>>)
      %dma_wait3A = arith.constant 0 : i32
      %dma_wait3A_36 = tpu.memref_slice %arg3[%mul3A_4, %dma_wait3A] : memref<16384x26xi32, #tpu.memory_space<hbm>> -> memref<512x26xi32, #tpu.memory_space<hbm>>
      %dma_wait3A_37 = arith.constant 0 : i32
      %dma_wait3A_38 = tpu.memref_slice %arg3[%mul3A_4, %dma_wait3A_37] : memref<16384x26xi32, #tpu.memory_space<hbm>> -> memref<512x26xi32, #tpu.memory_space<hbm>>
      tpu.wait_dma2 semaphore(%run_scoped3A : memref<!tpu.dma_semaphore, #tpu.memory_space<semaphore_mem>>) src(%dma_wait3A_38 : memref<512x26xi32, #tpu.memory_space<hbm>>) dst(%arg5 : memref<512x26xi32, #tpu.memory_space<vmem>>)
      tpu.yield
    }) : () -> ()
    %iota3A = tpu.iota {dimensions = array<i32: 0>} : vector<16xi32>
    %shift_right_arithmetic3A = arith.constant 2 : i32
    %shift_right_arithmetic3A_5 = vector.broadcast %shift_right_arithmetic3A : i32 to vector<16xi32>
    %shift_right_arithmetic3A_6 = arith.shrsi %iota3A, %shift_right_arithmetic3A_5 : vector<16xi32>
    %and3A = arith.constant 3 : i32
    %and3A_7 = vector.broadcast %and3A : i32 to vector<16xi32>
    %and3A_8 = arith.andi %shift_right_arithmetic3A_6, %and3A_7 : vector<16xi32>
    %and3A_9 = arith.constant 3 : i32
    %and3A_10 = vector.broadcast %and3A_9 : i32 to vector<16xi32>
    %and3A_11 = arith.andi %iota3A, %and3A_10 : vector<16xi32>
    %scan3A = arith.constant 0 : i32
    %scan3A_12 = arith.constant 0 : i32
    %scan3A_13 = arith.constant 64 : i32
    %scan3A_14 = arith.addi %scan3A_12, %scan3A_13 : i32
    %scan3A_15 = arith.constant 1 : i32
    scf.for %scan3A_32 = %scan3A_12 to %scan3A_14 step %scan3A_15  : i32 {
      %scan3A_33 = arith.constant 0 : i32
      %scan3A_34 = arith.constant 7 : i32
      %scan3A_35 = arith.addi %scan3A_33, %scan3A_34 : i32
      %scan3A_36 = arith.constant 1 : i32
      scf.for %scan3A_38 = %scan3A_33 to %scan3A_35 step %scan3A_36  : i32 {
        %scan3A_39 = arith.constant 0 : i32
        %scan3A_40 = arith.constant 2 : i32
        %scan3A_41 = arith.addi %scan3A_39, %scan3A_40 : i32
        %scan3A_42 = arith.constant 1 : i32
        scf.for %scan3A_44 = %scan3A_39 to %scan3A_41 step %scan3A_42  : i32 {
          %mul3A_45 = arith.constant 4 : i32
          %mul3A_46 = arith.muli %scan3A_44, %mul3A_45 : i32
          %add3A_47 = vector.broadcast %mul3A_46 : i32 to vector<16xi32>
          %add3A_48 = arith.addi %add3A_47, %and3A_8 : vector<16xi32>
          %mul3A_49 = arith.constant 8 : i32
          %mul3A_50 = arith.muli %scan3A_32, %mul3A_49 : i32
          %add3A_51 = vector.broadcast %mul3A_50 : i32 to vector<16xi32>
          %add3A_52 = arith.addi %add3A_51, %add3A_48 : vector<16xi32>
          %mul3A_53 = arith.constant 4 : i32
          %mul3A_54 = arith.muli %scan3A_38, %mul3A_53 : i32
          %add3A_55 = vector.broadcast %mul3A_54 : i32 to vector<16xi32>
          %add3A_56 = arith.addi %add3A_55, %and3A_11 : vector<16xi32>
          %lt3A = arith.constant 26 : i32
          %lt3A_57 = vector.broadcast %lt3A : i32 to vector<16xi32>
          %lt3A_58 = arith.cmpi slt, %add3A_56, %lt3A_57 : vector<16xi32>
          %sub3A = arith.constant 26 : i32
          %sub3A_59 = vector.broadcast %sub3A : i32 to vector<16xi32>
          %sub3A_60 = arith.subi %add3A_56, %sub3A_59 : vector<16xi32>
          %select_n3A = arith.select %lt3A_58, %add3A_56, %sub3A_60 : vector<16xi1>, vector<16xi32>
          %gather3A = tpu.vector_load_idx %arg5[%add3A_52, %select_n3A] : memref<512x26xi32, #tpu.memory_space<vmem>>[vector<16xi32>, vector<16xi32>], vector<16xi32>,
          %mul3A_61 = arith.constant 7 : i32
          %mul3A_62 = arith.muli %scan3A_32, %mul3A_61 : i32
          %add3A_63 = arith.addi %mul3A_62, %scan3A_38 : i32
          %mul3A_64 = arith.constant 32 : i32
          %mul3A_65 = arith.muli %add3A_63, %mul3A_64 : i32
          %mul3A_66 = arith.constant 16 : i32
          %mul3A_67 = arith.muli %scan3A_44, %mul3A_66 : i32
          %add3A_68 = arith.addi %mul3A_65, %mul3A_67 : i32
          %swap3A = arith.index_cast %add3A_68 : i32 to index
          %swap3A_69 = tpu.vector_load %arg6[%swap3A] {strides = array<i32>} : memref<14336xi32, #tpu.memory_space<vmem>>, vector<16xi32>,
          tpu.vector_store %arg6[%swap3A], %gather3A {strides = array<i32>} : memref<14336xi32, #tpu.memory_space<vmem>>, vector<16xi32>,
        }
        %scan3A_43 = arith.constant 2 : i32
      }
      %scan3A_37 = arith.constant 7 : i32
    }
    %scan3A_16 = arith.constant 64 : i32
    %dma_start3A = arith.constant 0 : i32
    %dma_start3A_17 = arith.constant 0 : i32
    %dma_start3A_18 = arith.constant 0 : i32
    %dma_start3A_19 = tpu.memref_slice %arg7[%dma_start3A, %dma_start3A_17, %dma_start3A_18] : memref<2x1024x32xf32, #tpu.memory_space<vmem>> -> memref<1x1024x32xf32, #tpu.memory_space<vmem>>
    %dma_start3A_20 = tpu.memref_squeeze %dma_start3A_19 : memref<1x1024x32xf32, #tpu.memory_space<vmem>> -> memref<1024x32xf32, #tpu.memory_space<vmem>>
    %dma_start3A_21 = arith.constant 0 : i32
    %dma_start3A_22 = tpu.memref_slice %arg6[%dma_start3A_21] : memref<14336xi32, #tpu.memory_space<vmem>> -> memref<1024xi32, #tpu.memory_space<vmem>>
    %dma_start3A_23 = arith.constant 0 : i32
    %dma_start3A_24 = arith.constant 0 : i32
    %dma_start3A_25 = tpu.memref_slice %arg2[%dma_start3A_23, %dma_start3A_24] : memref<1000000x32xf32, #tpu.memory_space<hbm>> -> memref<1000000x32xf32, #tpu.memory_space<hbm>>
    tpu.enqueue_indirect_dma source(%dma_start3A_25 : memref<1000000x32xf32, #tpu.memory_space<hbm>>) target(%dma_start3A_20 : memref<1024x32xf32, #tpu.memory_space<vmem>>) offsets(%dma_start3A_22 : memref<1024xi32, #tpu.memory_space<vmem>>) semaphore(%arg8 : memref<!tpu.dma_semaphore, #tpu.memory_space<semaphore_mem>>)
    %scan3A_26 = arith.constant 0 : i32
    %scan3A_27 = arith.constant 0 : i32
    %scan3A_28 = arith.constant 7 : i32
    %scan3A_29 = arith.addi %scan3A_27, %scan3A_28 : i32
    %scan3A_30 = arith.constant 1 : i32
    scf.for %scan3A_32 = %scan3A_27 to %scan3A_29 step %scan3A_30  : i32 {
      %mul3A_33 = arith.constant 2 : i32
      %mul3A_34 = arith.muli %mul3A_33, %scan3A_32 : i32
      %add3A_35 = arith.constant 1 : i32
      %add3A_36 = arith.addi %mul3A_34, %add3A_35 : i32
      %mul3A_37 = arith.constant 1024 : i32
      %mul3A_38 = arith.muli %add3A_36, %mul3A_37 : i32
      %dma_start3A_39 = arith.constant 1 : i32
      %dma_start3A_40 = arith.constant 0 : i32
      %dma_start3A_41 = arith.constant 0 : i32
      %dma_start3A_42 = tpu.memref_slice %arg7[%dma_start3A_39, %dma_start3A_40, %dma_start3A_41] : memref<2x1024x32xf32, #tpu.memory_space<vmem>> -> memref<1x1024x32xf32, #tpu.memory_space<vmem>>
      %dma_start3A_43 = tpu.memref_squeeze %dma_start3A_42 : memref<1x1024x32xf32, #tpu.memory_space<vmem>> -> memref<1024x32xf32, #tpu.memory_space<vmem>>
      %dma_start3A_44 = tpu.memref_slice %arg6[%mul3A_38] : memref<14336xi32, #tpu.memory_space<vmem>> -> memref<1024xi32, #tpu.memory_space<vmem>>
      %dma_start3A_45 = arith.constant 0 : i32
      %dma_start3A_46 = arith.constant 0 : i32
      %dma_start3A_47 = tpu.memref_slice %arg2[%dma_start3A_45, %dma_start3A_46] : memref<1000000x32xf32, #tpu.memory_space<hbm>> -> memref<1000000x32xf32, #tpu.memory_space<hbm>>
      tpu.enqueue_indirect_dma source(%dma_start3A_47 : memref<1000000x32xf32, #tpu.memory_space<hbm>>) target(%dma_start3A_43 : memref<1024x32xf32, #tpu.memory_space<vmem>>) offsets(%dma_start3A_44 : memref<1024xi32, #tpu.memory_space<vmem>>) semaphore(%arg9 : memref<!tpu.dma_semaphore, #tpu.memory_space<semaphore_mem>>)
      %mul3A_48 = arith.constant 1024 : i32
      %mul3A_49 = arith.muli %mul3A_34, %mul3A_48 : i32
      %dma_wait3A = arith.constant 0 : i32
      %dma_wait3A_50 = arith.constant 0 : i32
      %dma_wait3A_51 = arith.constant 0 : i32
      %dma_wait3A_52 = tpu.memref_slice %arg7[%dma_wait3A, %dma_wait3A_50, %dma_wait3A_51] : memref<2x1024x32xf32, #tpu.memory_space<vmem>> -> memref<1x1024x32xf32, #tpu.memory_space<vmem>>
      %dma_wait3A_53 = tpu.memref_squeeze %dma_wait3A_52 : memref<1x1024x32xf32, #tpu.memory_space<vmem>> -> memref<1024x32xf32, #tpu.memory_space<vmem>>
      %dma_wait3A_54 = tpu.memref_slice %arg6[%mul3A_49] : memref<14336xi32, #tpu.memory_space<vmem>> -> memref<1024xi32, #tpu.memory_space<vmem>>
      %dma_wait3A_55 = arith.constant 0 : i32
      %dma_wait3A_56 = arith.constant 0 : i32
      %dma_wait3A_57 = tpu.memref_slice %arg2[%dma_wait3A_55, %dma_wait3A_56] : memref<1000000x32xf32, #tpu.memory_space<hbm>> -> memref<1000000x32xf32, #tpu.memory_space<hbm>>
      tpu.wait_indirect_dma semaphore(%arg8 : memref<!tpu.dma_semaphore, #tpu.memory_space<semaphore_mem>>) src(%dma_wait3A_57 : memref<1000000x32xf32, #tpu.memory_space<hbm>>) dst(%dma_wait3A_53 : memref<1024x32xf32, #tpu.memory_space<vmem>>)
      %mul3A_58 = arith.constant 1024 : i32
      %mul3A_59 = arith.muli %mul3A_34, %mul3A_58 : i32
      %add3A_60 = arith.addi %mul3A_2, %mul3A_59 : i32
      %run_scoped3A = arith.constant 0 : i32
      "tpu.region"() ({
        %run_scoped3A_82 = tpu.sem_alloc : memref<!tpu.dma_semaphore, #tpu.memory_space<semaphore_mem>>
        %dma_start3A_83 = arith.constant 0 : i32
        %dma_start3A_84 = arith.constant 0 : i32
        %dma_start3A_85 = tpu.memref_slice %arg7[%run_scoped3A, %dma_start3A_83, %dma_start3A_84] : memref<2x1024x32xf32, #tpu.memory_space<vmem>> -> memref<1x1024x32xf32, #tpu.memory_space<vmem>>
        %dma_start3A_86 = tpu.memref_squeeze %dma_start3A_85 : memref<1x1024x32xf32, #tpu.memory_space<vmem>> -> memref<1024x32xf32, #tpu.memory_space<vmem>>
        %dma_start3A_87 = arith.constant 0 : i32
        %dma_start3A_88 = tpu.memref_slice %arg4[%add3A_60, %dma_start3A_87] : memref<458752x32xf32, #tpu.memory_space<hbm>> -> memref<1024x32xf32, #tpu.memory_space<hbm>>
        %dma_start3A_89 = arith.constant 0 : i32
        %dma_start3A_90 = tpu.memref_slice %arg4[%add3A_60, %dma_start3A_89] : memref<458752x32xf32, #tpu.memory_space<hbm>> -> memref<1024x32xf32, #tpu.memory_space<hbm>>
        %dma_start3A_91 = arith.constant 0 : i32
        %dma_start3A_92 = arith.constant 0 : i32
        %dma_start3A_93 = tpu.memref_slice %arg7[%run_scoped3A, %dma_start3A_91, %dma_start3A_92] : memref<2x1024x32xf32, #tpu.memory_space<vmem>> -> memref<1x1024x32xf32, #tpu.memory_space<vmem>>
        %dma_start3A_94 = tpu.memref_squeeze %dma_start3A_93 : memref<1x1024x32xf32, #tpu.memory_space<vmem>> -> memref<1024x32xf32, #tpu.memory_space<vmem>>
        tpu.enqueue_dma source(%dma_start3A_94 : memref<1024x32xf32, #tpu.memory_space<vmem>>) target(%dma_start3A_90 : memref<1024x32xf32, #tpu.memory_space<hbm>>) target_semaphore(%run_scoped3A_82 : memref<!tpu.dma_semaphore, #tpu.memory_space<semaphore_mem>>)
        %dma_wait3A_95 = arith.constant 0 : i32
        %dma_wait3A_96 = arith.constant 0 : i32
        %dma_wait3A_97 = tpu.memref_slice %arg7[%run_scoped3A, %dma_wait3A_95, %dma_wait3A_96] : memref<2x1024x32xf32, #tpu.memory_space<vmem>> -> memref<1x1024x32xf32, #tpu.memory_space<vmem>>
        %dma_wait3A_98 = tpu.memref_squeeze %dma_wait3A_97 : memref<1x1024x32xf32, #tpu.memory_space<vmem>> -> memref<1024x32xf32, #tpu.memory_space<vmem>>
        %dma_wait3A_99 = arith.constant 0 : i32
        %dma_wait3A_100 = tpu.memref_slice %arg4[%add3A_60, %dma_wait3A_99] : memref<458752x32xf32, #tpu.memory_space<hbm>> -> memref<1024x32xf32, #tpu.memory_space<hbm>>
        %dma_wait3A_101 = arith.constant 0 : i32
        %dma_wait3A_102 = tpu.memref_slice %arg4[%add3A_60, %dma_wait3A_101] : memref<458752x32xf32, #tpu.memory_space<hbm>> -> memref<1024x32xf32, #tpu.memory_space<hbm>>
        %dma_wait3A_103 = arith.constant 0 : i32
        %dma_wait3A_104 = arith.constant 0 : i32
        %dma_wait3A_105 = tpu.memref_slice %arg7[%run_scoped3A, %dma_wait3A_103, %dma_wait3A_104] : memref<2x1024x32xf32, #tpu.memory_space<vmem>> -> memref<1x1024x32xf32, #tpu.memory_space<vmem>>
        %dma_wait3A_106 = tpu.memref_squeeze %dma_wait3A_105 : memref<1x1024x32xf32, #tpu.memory_space<vmem>> -> memref<1024x32xf32, #tpu.memory_space<vmem>>
        tpu.wait_dma2 semaphore(%run_scoped3A_82 : memref<!tpu.dma_semaphore, #tpu.memory_space<semaphore_mem>>) src(%dma_wait3A_106 : memref<1024x32xf32, #tpu.memory_space<vmem>>) dst(%dma_wait3A_102 : memref<1024x32xf32, #tpu.memory_space<hbm>>)
        tpu.yield
      }) : () -> ()
      %add3A_61 = arith.constant 2 : i32
      %add3A_62 = arith.addi %mul3A_34, %add3A_61 : i32
      %lt3A = arith.constant 14 : i32
      %lt3A_63 = arith.cmpi slt, %add3A_62, %lt3A : i32
      %convert_element_type3A = arith.extui %lt3A_63 : i1 to i32
      %cond3A = arith.constant 0 : i32
      %cond3A_64 = arith.cmpi ne, %convert_element_type3A, %cond3A : i32
      scf.if %cond3A_64 {
        %add3A_82 = arith.constant 2 : i32
        %add3A_83 = arith.addi %mul3A_34, %add3A_82 : i32
        %mul3A_84 = arith.constant 1024 : i32
        %mul3A_85 = arith.muli %add3A_83, %mul3A_84 : i32
        %dma_start3A_86 = arith.constant 0 : i32
        %dma_start3A_87 = arith.constant 0 : i32
        %dma_start3A_88 = arith.constant 0 : i32
        %dma_start3A_89 = tpu.memref_slice %arg7[%dma_start3A_86, %dma_start3A_87, %dma_start3A_88] : memref<2x1024x32xf32, #tpu.memory_space<vmem>> -> memref<1x1024x32xf32, #tpu.memory_space<vmem>>
        %dma_start3A_90 = tpu.memref_squeeze %dma_start3A_89 : memref<1x1024x32xf32, #tpu.memory_space<vmem>> -> memref<1024x32xf32, #tpu.memory_space<vmem>>
        %dma_start3A_91 = tpu.memref_slice %arg6[%mul3A_85] : memref<14336xi32, #tpu.memory_space<vmem>> -> memref<1024xi32, #tpu.memory_space<vmem>>
        %dma_start3A_92 = arith.constant 0 : i32
        %dma_start3A_93 = arith.constant 0 : i32
        %dma_start3A_94 = tpu.memref_slice %arg2[%dma_start3A_92, %dma_start3A_93] : memref<1000000x32xf32, #tpu.memory_space<hbm>> -> memref<1000000x32xf32, #tpu.memory_space<hbm>>
        tpu.enqueue_indirect_dma source(%dma_start3A_94 : memref<1000000x32xf32, #tpu.memory_space<hbm>>) target(%dma_start3A_90 : memref<1024x32xf32, #tpu.memory_space<vmem>>) offsets(%dma_start3A_91 : memref<1024xi32, #tpu.memory_space<vmem>>) semaphore(%arg8 : memref<!tpu.dma_semaphore, #tpu.memory_space<semaphore_mem>>)
      } else {
      }
      %add3A_65 = arith.constant 1 : i32
      %add3A_66 = arith.addi %mul3A_34, %add3A_65 : i32
      %mul3A_67 = arith.constant 1024 : i32
      %mul3A_68 = arith.muli %add3A_66, %mul3A_67 : i32
      %dma_wait3A_69 = arith.constant 1 : i32
      %dma_wait3A_70 = arith.constant 0 : i32
      %dma_wait3A_71 = arith.constant 0 : i32
      %dma_wait3A_72 = tpu.memref_slice %arg7[%dma_wait3A_69, %dma_wait3A_70, %dma_wait3A_71] : memref<2x1024x32xf32, #tpu.memory_space<vmem>> -> memref<1x1024x32xf32, #tpu.memory_space<vmem>>
      %dma_wait3A_73 = tpu.memref_squeeze %dma_wait3A_72 : memref<1x1024x32xf32, #tpu.memory_space<vmem>> -> memref<1024x32xf32, #tpu.memory_space<vmem>>
      %dma_wait3A_74 = tpu.memref_slice %arg6[%mul3A_68] : memref<14336xi32, #tpu.memory_space<vmem>> -> memref<1024xi32, #tpu.memory_space<vmem>>
      %dma_wait3A_75 = arith.constant 0 : i32
      %dma_wait3A_76 = arith.constant 0 : i32
      %dma_wait3A_77 = tpu.memref_slice %arg2[%dma_wait3A_75, %dma_wait3A_76] : memref<1000000x32xf32, #tpu.memory_space<hbm>> -> memref<1000000x32xf32, #tpu.memory_space<hbm>>
      tpu.wait_indirect_dma semaphore(%arg9 : memref<!tpu.dma_semaphore, #tpu.memory_space<semaphore_mem>>) src(%dma_wait3A_77 : memref<1000000x32xf32, #tpu.memory_space<hbm>>) dst(%dma_wait3A_73 : memref<1024x32xf32, #tpu.memory_space<vmem>>)
      %mul3A_78 = arith.constant 1024 : i32
      %mul3A_79 = arith.muli %add3A_66, %mul3A_78 : i32
      %add3A_80 = arith.addi %mul3A_2, %mul3A_79 : i32
      %run_scoped3A_81 = arith.constant 1 : i32
      "tpu.region"() ({
        %run_scoped3A_82 = tpu.sem_alloc : memref<!tpu.dma_semaphore, #tpu.memory_space<semaphore_mem>>
        %dma_start3A_83 = arith.constant 0 : i32
        %dma_start3A_84 = arith.constant 0 : i32
        %dma_start3A_85 = tpu.memref_slice %arg7[%run_scoped3A_81, %dma_start3A_83, %dma_start3A_84] : memref<2x1024x32xf32, #tpu.memory_space<vmem>> -> memref<1x1024x32xf32, #tpu.memory_space<vmem>>
        %dma_start3A_86 = tpu.memref_squeeze %dma_start3A_85 : memref<1x1024x32xf32, #tpu.memory_space<vmem>> -> memref<1024x32xf32, #tpu.memory_space<vmem>>
        %dma_start3A_87 = arith.constant 0 : i32
        %dma_start3A_88 = tpu.memref_slice %arg4[%add3A_80, %dma_start3A_87] : memref<458752x32xf32, #tpu.memory_space<hbm>> -> memref<1024x32xf32, #tpu.memory_space<hbm>>
        %dma_start3A_89 = arith.constant 0 : i32
        %dma_start3A_90 = tpu.memref_slice %arg4[%add3A_80, %dma_start3A_89] : memref<458752x32xf32, #tpu.memory_space<hbm>> -> memref<1024x32xf32, #tpu.memory_space<hbm>>
        %dma_start3A_91 = arith.constant 0 : i32
        %dma_start3A_92 = arith.constant 0 : i32
        %dma_start3A_93 = tpu.memref_slice %arg7[%run_scoped3A_81, %dma_start3A_91, %dma_start3A_92] : memref<2x1024x32xf32, #tpu.memory_space<vmem>> -> memref<1x1024x32xf32, #tpu.memory_space<vmem>>
        %dma_start3A_94 = tpu.memref_squeeze %dma_start3A_93 : memref<1x1024x32xf32, #tpu.memory_space<vmem>> -> memref<1024x32xf32, #tpu.memory_space<vmem>>
        tpu.enqueue_dma source(%dma_start3A_94 : memref<1024x32xf32, #tpu.memory_space<vmem>>) target(%dma_start3A_90 : memref<1024x32xf32, #tpu.memory_space<hbm>>) target_semaphore(%run_scoped3A_82 : memref<!tpu.dma_semaphore, #tpu.memory_space<semaphore_mem>>)
        %dma_wait3A_95 = arith.constant 0 : i32
        %dma_wait3A_96 = arith.constant 0 : i32
        %dma_wait3A_97 = tpu.memref_slice %arg7[%run_scoped3A_81, %dma_wait3A_95, %dma_wait3A_96] : memref<2x1024x32xf32, #tpu.memory_space<vmem>> -> memref<1x1024x32xf32, #tpu.memory_space<vmem>>
        %dma_wait3A_98 = tpu.memref_squeeze %dma_wait3A_97 : memref<1x1024x32xf32, #tpu.memory_space<vmem>> -> memref<1024x32xf32, #tpu.memory_space<vmem>>
        %dma_wait3A_99 = arith.constant 0 : i32
        %dma_wait3A_100 = tpu.memref_slice %arg4[%add3A_80, %dma_wait3A_99] : memref<458752x32xf32, #tpu.memory_space<hbm>> -> memref<1024x32xf32, #tpu.memory_space<hbm>>
        %dma_wait3A_101 = arith.constant 0 : i32
        %dma_wait3A_102 = tpu.memref_slice %arg4[%add3A_80, %dma_wait3A_101] : memref<458752x32xf32, #tpu.memory_space<hbm>> -> memref<1024x32xf32, #tpu.memory_space<hbm>>
        %dma_wait3A_103 = arith.constant 0 : i32
        %dma_wait3A_104 = arith.constant 0 : i32
        %dma_wait3A_105 = tpu.memref_slice %arg7[%run_scoped3A_81, %dma_wait3A_103, %dma_wait3A_104] : memref<2x1024x32xf32, #tpu.memory_space<vmem>> -> memref<1x1024x32xf32, #tpu.memory_space<vmem>>
        %dma_wait3A_106 = tpu.memref_squeeze %dma_wait3A_105 : memref<1x1024x32xf32, #tpu.memory_space<vmem>> -> memref<1024x32xf32, #tpu.memory_space<vmem>>
        tpu.wait_dma2 semaphore(%run_scoped3A_82 : memref<!tpu.dma_semaphore, #tpu.memory_space<semaphore_mem>>) src(%dma_wait3A_106 : memref<1024x32xf32, #tpu.memory_space<vmem>>) dst(%dma_wait3A_102 : memref<1024x32xf32, #tpu.memory_space<hbm>>)
        tpu.yield
      }) : () -> ()
    }
    %scan3A_31 = arith.constant 7 : i32
    return
  }
}

module attributes {stable_mosaic.version = 14 : i64} {
  func.func @body(%arg0: i32, %arg1: memref<32x16384xf32, #tpu.memory_space<vmem>>, %arg2: memref<4096x128xf32, #tpu.memory_space<vmem>>) attributes {dimension_semantics = [#tpu.dimension_semantics<arbitrary>], iteration_bounds = array<i64: 62>, scalar_prefetch = 0 : i64, scratch_operands = 0 : i64, tpu.core_type = #tpu.core_type<tc>, window_params = [{transform_indices = @transform_0, window_bounds = array<i64: 32, 16384>}, {transform_indices = @transform_1, window_bounds = array<i64: 4096, 128>}]} {
    %get3A = arith.constant 0 : index
    %get3A_0 = arith.constant 0 : index
    %get3A_1 = vector.load %arg1[%get3A, %get3A_0] : memref<32x16384xf32, #tpu.memory_space<vmem>>, vector<32x16384xf32>
    %transpose3A = tpu.transpose %get3A_1, [1, 0] : vector<32x16384xf32> -> vector<16384x32xf32>
    %reshape3A = vector.shape_cast %transpose3A : vector<16384x32xf32> to vector<4096x4x32xf32>
    %slice3A = vector.extract_strided_slice %reshape3A {offsets = [0, 0, 0], sizes = [4096, 1, 32], strides = [1, 1, 1]} : vector<4096x4x32xf32> to vector<4096x1x32xf32>
    %squeeze3A = vector.shape_cast %slice3A : vector<4096x1x32xf32> to vector<4096x32xf32>
    %swap3A = arith.constant 0 : index
    %swap3A_2 = arith.constant 0 : index
    %swap3A_3 = vector.load %arg2[%swap3A, %swap3A_2] : memref<4096x128xf32, #tpu.memory_space<vmem>>, vector<4096x32xf32>
    tpu.vector_store %arg2[%swap3A, %swap3A_2], %squeeze3A {strides = array<i32>} : memref<4096x128xf32, #tpu.memory_space<vmem>>, vector<4096x32xf32>,
    %slice3A_4 = vector.extract_strided_slice %reshape3A {offsets = [0, 1, 0], sizes = [4096, 1, 32], strides = [1, 1, 1]} : vector<4096x4x32xf32> to vector<4096x1x32xf32>
    %squeeze3A_5 = vector.shape_cast %slice3A_4 : vector<4096x1x32xf32> to vector<4096x32xf32>
    %swap3A_6 = arith.constant 0 : index
    %swap3A_7 = arith.constant 32 : index
    %swap3A_8 = vector.load %arg2[%swap3A_6, %swap3A_7] : memref<4096x128xf32, #tpu.memory_space<vmem>>, vector<4096x32xf32>
    tpu.vector_store %arg2[%swap3A_6, %swap3A_7], %squeeze3A_5 {strides = array<i32>} : memref<4096x128xf32, #tpu.memory_space<vmem>>, vector<4096x32xf32>,
    %slice3A_9 = vector.extract_strided_slice %reshape3A {offsets = [0, 2, 0], sizes = [4096, 1, 32], strides = [1, 1, 1]} : vector<4096x4x32xf32> to vector<4096x1x32xf32>
    %squeeze3A_10 = vector.shape_cast %slice3A_9 : vector<4096x1x32xf32> to vector<4096x32xf32>
    %swap3A_11 = arith.constant 0 : index
    %swap3A_12 = arith.constant 64 : index
    %swap3A_13 = vector.load %arg2[%swap3A_11, %swap3A_12] : memref<4096x128xf32, #tpu.memory_space<vmem>>, vector<4096x32xf32>
    tpu.vector_store %arg2[%swap3A_11, %swap3A_12], %squeeze3A_10 {strides = array<i32>} : memref<4096x128xf32, #tpu.memory_space<vmem>>, vector<4096x32xf32>,
    %slice3A_14 = vector.extract_strided_slice %reshape3A {offsets = [0, 3, 0], sizes = [4096, 1, 32], strides = [1, 1, 1]} : vector<4096x4x32xf32> to vector<4096x1x32xf32>
    %squeeze3A_15 = vector.shape_cast %slice3A_14 : vector<4096x1x32xf32> to vector<4096x32xf32>
    %swap3A_16 = arith.constant 0 : index
    %swap3A_17 = arith.constant 96 : index
    %swap3A_18 = vector.load %arg2[%swap3A_16, %swap3A_17] : memref<4096x128xf32, #tpu.memory_space<vmem>>, vector<4096x32xf32>
    tpu.vector_store %arg2[%swap3A_16, %swap3A_17], %squeeze3A_15 {strides = array<i32>} : memref<4096x128xf32, #tpu.memory_space<vmem>>, vector<4096x32xf32>,
    return
  }
  func.func @transform_0(%arg0: i32) -> (i32, i32) {
    %c0_i32 = arith.constant 0 : i32
    %c0_i32_0 = arith.constant 0 : i32
    return %c0_i32, %arg0 : i32, i32
  }
  func.func @transform_1(%arg0: i32) -> (i32, i32) {
    %c0_i32 = arith.constant 0 : i32
    %c0_i32_0 = arith.constant 0 : i32
    return %arg0, %c0_i32 : i32, i32
  }
}

module attributes {stable_mosaic.version = 14 : i64} {
  func.func @body(%arg0: i32, %arg1: memref<128x7x8x128xf32, #tpu.memory_space<vmem>>, %arg2: memref<7x128x256xf32, #tpu.memory_space<vmem>>, %arg3: memref<1x256xf32, #tpu.memory_space<vmem>>, %arg4: memref<256x64xf32, #tpu.memory_space<vmem>>, %arg5: memref<1x64xf32, #tpu.memory_space<vmem>>, %arg6: memref<64x1xf32, #tpu.memory_space<vmem>>, %arg7: memref<1x1xf32, #tpu.memory_space<vmem>>, %arg8: memref<1024x1xf32, #tpu.memory_space<vmem>>) attributes {dimension_semantics = [#tpu.dimension_semantics<arbitrary>], iteration_bounds = array<i64: 16>, scalar_prefetch = 0 : i64, scratch_operands = 0 : i64, tpu.core_type = #tpu.core_type<tc>, window_params = [{transform_indices = @transform_0, window_bounds = array<i64: 128, 7, 8, 128>}, {pipeline_mode = #tpu.pipeline_mode<synchronous>, transform_indices = @transform_1, window_bounds = array<i64: 7, 128, 256>}, {pipeline_mode = #tpu.pipeline_mode<synchronous>, transform_indices = @transform_2, window_bounds = array<i64: 1, 256>}, {pipeline_mode = #tpu.pipeline_mode<synchronous>, transform_indices = @transform_3, window_bounds = array<i64: 256, 64>}, {pipeline_mode = #tpu.pipeline_mode<synchronous>, transform_indices = @transform_4, window_bounds = array<i64: 1, 64>}, {pipeline_mode = #tpu.pipeline_mode<synchronous>, transform_indices = @transform_5, window_bounds = array<i64: 64, 1>}, {pipeline_mode = #tpu.pipeline_mode<synchronous>, transform_indices = @transform_6, window_bounds = array<i64: 1, 1>}, {transform_indices = @transform_7, window_bounds = array<i64: 1024, 1>}]} {
    %broadcast_in_dim3A = arith.constant 0.000000e+00 : f32
    %broadcast_in_dim3A_0 = vector.broadcast %broadcast_in_dim3A : f32 to vector<1024x256xf32>
    %get3A = arith.constant 0 : index
    %get3A_1 = arith.constant 0 : index
    %get3A_2 = arith.constant 0 : index
    %get3A_3 = arith.constant 0 : index
    %get3A_4 = vector.load %arg1[%get3A, %get3A_1, %get3A_2, %get3A_3] : memref<128x7x8x128xf32, #tpu.memory_space<vmem>>, vector<128x1x8x128xf32>
    %get3A_5 = vector.shape_cast %get3A_4 : vector<128x1x8x128xf32> to vector<128x8x128xf32>
    %reshape3A = vector.shape_cast %get3A_5 : vector<128x8x128xf32> to vector<1024x128xf32>
    %get3A_6 = arith.constant 0 : index
    %get3A_7 = arith.constant 0 : index
    %get3A_8 = arith.constant 0 : index
    %get3A_9 = vector.load %arg2[%get3A_6, %get3A_7, %get3A_8] : memref<7x128x256xf32, #tpu.memory_space<vmem>>, vector<1x128x256xf32>
    %get3A_10 = vector.shape_cast %get3A_9 : vector<1x128x256xf32> to vector<128x256xf32>
    %dot_general3A = arith.constant dense<0.000000e+00> : vector<1024x256xf32>
    %dot_general3A_11 = tpu.matmul %reshape3A, %get3A_10, %dot_general3A {dimension_numbers = #tpu.dot_dimension_numbers<[1], [0], [0], [1], [0, 0, 1, 1], [], []>, transpose_lhs_hint = false} : vector<1024x128xf32>, vector<128x256xf32>, vector<1024x256xf32> -> vector<1024x256xf32>
    %add3A = arith.addf %broadcast_in_dim3A_0, %dot_general3A_11 : vector<1024x256xf32>
    %get3A_12 = arith.constant 0 : index
    %get3A_13 = arith.constant 1 : index
    %get3A_14 = arith.constant 0 : index
    %get3A_15 = arith.constant 0 : index
    %get3A_16 = vector.load %arg1[%get3A_12, %get3A_13, %get3A_14, %get3A_15] : memref<128x7x8x128xf32, #tpu.memory_space<vmem>>, vector<128x1x8x128xf32>
    %get3A_17 = vector.shape_cast %get3A_16 : vector<128x1x8x128xf32> to vector<128x8x128xf32>
    %reshape3A_18 = vector.shape_cast %get3A_17 : vector<128x8x128xf32> to vector<1024x128xf32>
    %get3A_19 = arith.constant 1 : index
    %get3A_20 = arith.constant 0 : index
    %get3A_21 = arith.constant 0 : index
    %get3A_22 = vector.load %arg2[%get3A_19, %get3A_20, %get3A_21] : memref<7x128x256xf32, #tpu.memory_space<vmem>>, vector<1x128x256xf32>
    %get3A_23 = vector.shape_cast %get3A_22 : vector<1x128x256xf32> to vector<128x256xf32>
    %dot_general3A_24 = arith.constant dense<0.000000e+00> : vector<1024x256xf32>
    %dot_general3A_25 = tpu.matmul %reshape3A_18, %get3A_23, %dot_general3A_24 {dimension_numbers = #tpu.dot_dimension_numbers<[1], [0], [0], [1], [0, 0, 1, 1], [], []>, transpose_lhs_hint = false} : vector<1024x128xf32>, vector<128x256xf32>, vector<1024x256xf32> -> vector<1024x256xf32>
    %add3A_26 = arith.addf %add3A, %dot_general3A_25 : vector<1024x256xf32>
    %get3A_27 = arith.constant 0 : index
    %get3A_28 = arith.constant 2 : index
    %get3A_29 = arith.constant 0 : index
    %get3A_30 = arith.constant 0 : index
    %get3A_31 = vector.load %arg1[%get3A_27, %get3A_28, %get3A_29, %get3A_30] : memref<128x7x8x128xf32, #tpu.memory_space<vmem>>, vector<128x1x8x128xf32>
    %get3A_32 = vector.shape_cast %get3A_31 : vector<128x1x8x128xf32> to vector<128x8x128xf32>
    %reshape3A_33 = vector.shape_cast %get3A_32 : vector<128x8x128xf32> to vector<1024x128xf32>
    %get3A_34 = arith.constant 2 : index
    %get3A_35 = arith.constant 0 : index
    %get3A_36 = arith.constant 0 : index
    %get3A_37 = vector.load %arg2[%get3A_34, %get3A_35, %get3A_36] : memref<7x128x256xf32, #tpu.memory_space<vmem>>, vector<1x128x256xf32>
    %get3A_38 = vector.shape_cast %get3A_37 : vector<1x128x256xf32> to vector<128x256xf32>
    %dot_general3A_39 = arith.constant dense<0.000000e+00> : vector<1024x256xf32>
    %dot_general3A_40 = tpu.matmul %reshape3A_33, %get3A_38, %dot_general3A_39 {dimension_numbers = #tpu.dot_dimension_numbers<[1], [0], [0], [1], [0, 0, 1, 1], [], []>, transpose_lhs_hint = false} : vector<1024x128xf32>, vector<128x256xf32>, vector<1024x256xf32> -> vector<1024x256xf32>
    %add3A_41 = arith.addf %add3A_26, %dot_general3A_40 : vector<1024x256xf32>
    %get3A_42 = arith.constant 0 : index
    %get3A_43 = arith.constant 3 : index
    %get3A_44 = arith.constant 0 : index
    %get3A_45 = arith.constant 0 : index
    %get3A_46 = vector.load %arg1[%get3A_42, %get3A_43, %get3A_44, %get3A_45] : memref<128x7x8x128xf32, #tpu.memory_space<vmem>>, vector<128x1x8x128xf32>
    %get3A_47 = vector.shape_cast %get3A_46 : vector<128x1x8x128xf32> to vector<128x8x128xf32>
    %reshape3A_48 = vector.shape_cast %get3A_47 : vector<128x8x128xf32> to vector<1024x128xf32>
    %get3A_49 = arith.constant 3 : index
    %get3A_50 = arith.constant 0 : index
    %get3A_51 = arith.constant 0 : index
    %get3A_52 = vector.load %arg2[%get3A_49, %get3A_50, %get3A_51] : memref<7x128x256xf32, #tpu.memory_space<vmem>>, vector<1x128x256xf32>
    %get3A_53 = vector.shape_cast %get3A_52 : vector<1x128x256xf32> to vector<128x256xf32>
    %dot_general3A_54 = arith.constant dense<0.000000e+00> : vector<1024x256xf32>
    %dot_general3A_55 = tpu.matmul %reshape3A_48, %get3A_53, %dot_general3A_54 {dimension_numbers = #tpu.dot_dimension_numbers<[1], [0], [0], [1], [0, 0, 1, 1], [], []>, transpose_lhs_hint = false} : vector<1024x128xf32>, vector<128x256xf32>, vector<1024x256xf32> -> vector<1024x256xf32>
    %add3A_56 = arith.addf %add3A_41, %dot_general3A_55 : vector<1024x256xf32>
    %get3A_57 = arith.constant 0 : index
    %get3A_58 = arith.constant 4 : index
    %get3A_59 = arith.constant 0 : index
    %get3A_60 = arith.constant 0 : index
    %get3A_61 = vector.load %arg1[%get3A_57, %get3A_58, %get3A_59, %get3A_60] : memref<128x7x8x128xf32, #tpu.memory_space<vmem>>, vector<128x1x8x128xf32>
    %get3A_62 = vector.shape_cast %get3A_61 : vector<128x1x8x128xf32> to vector<128x8x128xf32>
    %reshape3A_63 = vector.shape_cast %get3A_62 : vector<128x8x128xf32> to vector<1024x128xf32>
    %get3A_64 = arith.constant 4 : index
    %get3A_65 = arith.constant 0 : index
    %get3A_66 = arith.constant 0 : index
    %get3A_67 = vector.load %arg2[%get3A_64, %get3A_65, %get3A_66] : memref<7x128x256xf32, #tpu.memory_space<vmem>>, vector<1x128x256xf32>
    %get3A_68 = vector.shape_cast %get3A_67 : vector<1x128x256xf32> to vector<128x256xf32>
    %dot_general3A_69 = arith.constant dense<0.000000e+00> : vector<1024x256xf32>
    %dot_general3A_70 = tpu.matmul %reshape3A_63, %get3A_68, %dot_general3A_69 {dimension_numbers = #tpu.dot_dimension_numbers<[1], [0], [0], [1], [0, 0, 1, 1], [], []>, transpose_lhs_hint = false} : vector<1024x128xf32>, vector<128x256xf32>, vector<1024x256xf32> -> vector<1024x256xf32>
    %add3A_71 = arith.addf %add3A_56, %dot_general3A_70 : vector<1024x256xf32>
    %get3A_72 = arith.constant 0 : index
    %get3A_73 = arith.constant 5 : index
    %get3A_74 = arith.constant 0 : index
    %get3A_75 = arith.constant 0 : index
    %get3A_76 = vector.load %arg1[%get3A_72, %get3A_73, %get3A_74, %get3A_75] : memref<128x7x8x128xf32, #tpu.memory_space<vmem>>, vector<128x1x8x128xf32>
    %get3A_77 = vector.shape_cast %get3A_76 : vector<128x1x8x128xf32> to vector<128x8x128xf32>
    %reshape3A_78 = vector.shape_cast %get3A_77 : vector<128x8x128xf32> to vector<1024x128xf32>
    %get3A_79 = arith.constant 5 : index
    %get3A_80 = arith.constant 0 : index
    %get3A_81 = arith.constant 0 : index
    %get3A_82 = vector.load %arg2[%get3A_79, %get3A_80, %get3A_81] : memref<7x128x256xf32, #tpu.memory_space<vmem>>, vector<1x128x256xf32>
    %get3A_83 = vector.shape_cast %get3A_82 : vector<1x128x256xf32> to vector<128x256xf32>
    %dot_general3A_84 = arith.constant dense<0.000000e+00> : vector<1024x256xf32>
    %dot_general3A_85 = tpu.matmul %reshape3A_78, %get3A_83, %dot_general3A_84 {dimension_numbers = #tpu.dot_dimension_numbers<[1], [0], [0], [1], [0, 0, 1, 1], [], []>, transpose_lhs_hint = false} : vector<1024x128xf32>, vector<128x256xf32>, vector<1024x256xf32> -> vector<1024x256xf32>
    %add3A_86 = arith.addf %add3A_71, %dot_general3A_85 : vector<1024x256xf32>
    %get3A_87 = arith.constant 0 : index
    %get3A_88 = arith.constant 6 : index
    %get3A_89 = arith.constant 0 : index
    %get3A_90 = arith.constant 0 : index
    %get3A_91 = vector.load %arg1[%get3A_87, %get3A_88, %get3A_89, %get3A_90] : memref<128x7x8x128xf32, #tpu.memory_space<vmem>>, vector<128x1x8x128xf32>
    %get3A_92 = vector.shape_cast %get3A_91 : vector<128x1x8x128xf32> to vector<128x8x128xf32>
    %reshape3A_93 = vector.shape_cast %get3A_92 : vector<128x8x128xf32> to vector<1024x128xf32>
    %get3A_94 = arith.constant 6 : index
    %get3A_95 = arith.constant 0 : index
    %get3A_96 = arith.constant 0 : index
    %get3A_97 = vector.load %arg2[%get3A_94, %get3A_95, %get3A_96] : memref<7x128x256xf32, #tpu.memory_space<vmem>>, vector<1x128x256xf32>
    %get3A_98 = vector.shape_cast %get3A_97 : vector<1x128x256xf32> to vector<128x256xf32>
    %dot_general3A_99 = arith.constant dense<0.000000e+00> : vector<1024x256xf32>
    %dot_general3A_100 = tpu.matmul %reshape3A_93, %get3A_98, %dot_general3A_99 {dimension_numbers = #tpu.dot_dimension_numbers<[1], [0], [0], [1], [0, 0, 1, 1], [], []>, transpose_lhs_hint = false} : vector<1024x128xf32>, vector<128x256xf32>, vector<1024x256xf32> -> vector<1024x256xf32>
    %add3A_101 = arith.addf %add3A_86, %dot_general3A_100 : vector<1024x256xf32>
    %get3A_102 = arith.constant 0 : index
    %get3A_103 = arith.constant 0 : index
    %get3A_104 = vector.load %arg3[%get3A_102, %get3A_103] : memref<1x256xf32, #tpu.memory_space<vmem>>, vector<1x256xf32>
    %add3A_105 = vector.broadcast %get3A_104 : vector<1x256xf32> to vector<1024x256xf32>
    %add3A_106 = arith.addf %add3A_101, %add3A_105 : vector<1024x256xf32>
    %max3A = arith.constant 0.000000e+00 : f32
    %max3A_107 = vector.broadcast %max3A : f32 to vector<1024x256xf32>
    %max3A_108 = arith.maximumf %add3A_106, %max3A_107 : vector<1024x256xf32>
    %get3A_109 = arith.constant 0 : index
    %get3A_110 = arith.constant 0 : index
    %get3A_111 = vector.load %arg4[%get3A_109, %get3A_110] : memref<256x64xf32, #tpu.memory_space<vmem>>, vector<256x64xf32>
    %dot_general3A_112 = arith.constant dense<0.000000e+00> : vector<1024x64xf32>
    %dot_general3A_113 = tpu.matmul %max3A_108, %get3A_111, %dot_general3A_112 {dimension_numbers = #tpu.dot_dimension_numbers<[1], [0], [0], [1], [0, 0, 1, 1], [], []>, transpose_lhs_hint = false} : vector<1024x256xf32>, vector<256x64xf32>, vector<1024x64xf32> -> vector<1024x64xf32>
    %get3A_114 = arith.constant 0 : index
    %get3A_115 = arith.constant 0 : index
    %get3A_116 = vector.load %arg5[%get3A_114, %get3A_115] : memref<1x64xf32, #tpu.memory_space<vmem>>, vector<1x64xf32>
    %add3A_117 = vector.broadcast %get3A_116 : vector<1x64xf32> to vector<1024x64xf32>
    %add3A_118 = arith.addf %dot_general3A_113, %add3A_117 : vector<1024x64xf32>
    %max3A_119 = arith.constant 0.000000e+00 : f32
    %max3A_120 = vector.broadcast %max3A_119 : f32 to vector<1024x64xf32>
    %max3A_121 = arith.maximumf %add3A_118, %max3A_120 : vector<1024x64xf32>
    %get3A_122 = arith.constant 0 : index
    %get3A_123 = arith.constant 0 : index
    %get3A_124 = vector.load %arg6[%get3A_122, %get3A_123] : memref<64x1xf32, #tpu.memory_space<vmem>>, vector<64x1xf32>
    %dot_general3A_125 = arith.constant dense<0.000000e+00> : vector<1024x1xf32>
    %dot_general3A_126 = tpu.matmul %max3A_121, %get3A_124, %dot_general3A_125 {dimension_numbers = #tpu.dot_dimension_numbers<[1], [0], [0], [1], [0, 0, 1, 1], [], []>, transpose_lhs_hint = false} : vector<1024x64xf32>, vector<64x1xf32>, vector<1024x1xf32> -> vector<1024x1xf32>
    %get3A_127 = arith.constant 0 : index
    %get3A_128 = arith.constant 0 : index
    %get3A_129 = vector.load %arg7[%get3A_127, %get3A_128] : memref<1x1xf32, #tpu.memory_space<vmem>>, vector<1x1xf32>
    %add3A_130 = vector.broadcast %get3A_129 : vector<1x1xf32> to vector<1024x1xf32>
    %add3A_131 = arith.addf %dot_general3A_126, %add3A_130 : vector<1024x1xf32>
    %swap3A = arith.constant 0 : index
    %swap3A_132 = arith.constant 0 : index
    %swap3A_133 = vector.load %arg8[%swap3A, %swap3A_132] : memref<1024x1xf32, #tpu.memory_space<vmem>>, vector<1024x1xf32>
    tpu.vector_store %arg8[%swap3A, %swap3A_132], %add3A_131 {strides = array<i32>} : memref<1024x1xf32, #tpu.memory_space<vmem>>, vector<1024x1xf32>,
    return
  }
  func.func @transform_0(%arg0: i32) -> (i32, i32, i32, i32) {
    %c0_i32 = arith.constant 0 : i32
    %c0_i32_0 = arith.constant 0 : i32
    %c0_i32_1 = arith.constant 0 : i32
    %c0_i32_2 = arith.constant 0 : i32
    return %arg0, %c0_i32, %c0_i32_0, %c0_i32_1 : i32, i32, i32, i32
  }
  func.func @transform_1(%arg0: i32) -> (i32, i32, i32) {
    %c0_i32 = arith.constant 0 : i32
    %c0_i32_0 = arith.constant 0 : i32
    %c0_i32_1 = arith.constant 0 : i32
    %c0_i32_2 = arith.constant 0 : i32
    return %c0_i32, %c0_i32_0, %c0_i32_1 : i32, i32, i32
  }
  func.func @transform_2(%arg0: i32) -> (i32, i32) {
    %c0_i32 = arith.constant 0 : i32
    %c0_i32_0 = arith.constant 0 : i32
    %c0_i32_1 = arith.constant 0 : i32
    return %c0_i32, %c0_i32_0 : i32, i32
  }
  func.func @transform_3(%arg0: i32) -> (i32, i32) {
    %c0_i32 = arith.constant 0 : i32
    %c0_i32_0 = arith.constant 0 : i32
    %c0_i32_1 = arith.constant 0 : i32
    return %c0_i32, %c0_i32_0 : i32, i32
  }
  func.func @transform_4(%arg0: i32) -> (i32, i32) {
    %c0_i32 = arith.constant 0 : i32
    %c0_i32_0 = arith.constant 0 : i32
    %c0_i32_1 = arith.constant 0 : i32
    return %c0_i32, %c0_i32_0 : i32, i32
  }
  func.func @transform_5(%arg0: i32) -> (i32, i32) {
    %c0_i32 = arith.constant 0 : i32
    %c0_i32_0 = arith.constant 0 : i32
    %c0_i32_1 = arith.constant 0 : i32
    return %c0_i32, %c0_i32_0 : i32, i32
  }
  func.func @transform_6(%arg0: i32) -> (i32, i32) {
    %c0_i32 = arith.constant 0 : i32
    %c0_i32_0 = arith.constant 0 : i32
    %c0_i32_1 = arith.constant 0 : i32
    return %c0_i32, %c0_i32_0 : i32, i32
  }
  func.func @transform_7(%arg0: i32) -> (i32, i32) {
    %c0_i32 = arith.constant 0 : i32
    %c0_i32_0 = arith.constant 0 : i32
    return %arg0, %c0_i32 : i32, i32
  }
}

</mosaic_0001>

<sc_bundles>
// kernel: kernel.5.cloned.1.call-start
scs
__scs_entry_jumppad:
0x0: {  	(pc) =	sbr.rel $0x88, $3  }
0x1: {  	(tag) =	ssettag $0x0;
	lr =	simm.s32 $0x1  }
0x2: {  	[smem:$0x3F99] =	sst lr;
	_ =	strace $0xD0000000  }
0x3: {  	_ = 	snop  }
0x4: {  	_ = 	snop  }
0x5: {  	_ = 	snop  }
0x6: {  	_ = 	snop  }
0x7: {  	_ = 	snop  }
__scs_overlays_trampoline_lowered:
0x8: {  	[smem:$0x3FA8] =	sst s0  }
0x9: {  	[smem:$0x3FA9] =	sst s1  }
0xa: {  	[smem:$0x3FAA] =	sst s2  }
0xb: {  	[smem:$0x3FAB] =	sst s3  }
0xc: {  	[smem:$0x3FAC] =	sst s4  }
0xd: {  	[smem:$0x3FAD] =	sst s5  }
0xe: {  	[smem:$0x3FAE] =	sst s6  }
0xf: {  	[smem:$0x3FAF] =	sst s7  }
0x10: {  	[smem:$0x3FB0] =	sst s8  }
0x11: {  	[smem:$0x3FB1] =	sst s9;
	s0 =	simm.s32 @!p0 $0x0  }
0x12: {  	s1 =	sld [smem:$0x3F97];
	s0 =	simm.s32 @p0 $0x1  }
0x13: {  	[smem:$0x3FB2] =	sst s0;
	s0 =	simm.s32 @!p1 $0x0  }
0x14: {  	s2 =	sld [smem:$0x3F96];
	s0 =	simm.s32 @p1 $0x1  }
0x15: {  	[smem:$0x3FB3] =	sst s0;
	s0 =	simm.s32 @!p2 $0x0  }
0x16: {  	s3 =	sld [smem:$0x3FDB];
	s0 =	simm.s32 @p2 $0x1  }
0x17: {  	s4 =	simm.s32 $0x1BF5;
	[smem:$0x3FB5] =	sst s0  }
0x18: {  	s0 =	sld [smem:$0x3F98];
	_ =	swait.ge [sflag:s4], $0x0  }
0x19: {  	s7 =	sld [smem:$0x3F99]  }
0x1a: {  	s8 =	sadd.s32 $0xFFFFE003, lr  }
0x1b: {  	s9 =	sadd.s32 $0xFFFFFEF7, lr;
	s5 =	simm.s32 $0xFFFFFFFF;
	p2 =	slt.u32 s8, $0xFFFFF086  }
0x1c: {  	p1 =	slt.u32 s9, $0xF7A;
	s5 =	simm.s32 @!p2 $0x0  }
0x1d: {  	s5 =	simm.s32 @p1 $0x1;
	p0 =	seq.s32 s7, s2  }
0x1e: {  	s7 =	smul.u32 @!p0 $0xF7A, s2;
	p2 =	seq.s32 @!p0 s5, $0x0  }
0x1f: {  	s9 =	smul.u32 $0xF7A, s1;
	s8 =	simm.s32 @!p0 $0x1BF5;
	p2 =	por !p2, p0  }
0x20: {  	[sflag:s8] =	ssyncset.s32 @!p0 $0xFFFFF086;
	s6 =	sadd.s32 @!p0 s3, s7;
	s7 =	simm.s32 @!p0 $0x108  }
0x21: {  	s3 =	sadd.s32 s3, s9;
	s6 =	sadd.s32 @!p0 $0x88, s6;
	s7 =	simm.s32 @p2 $0x1082  }
0x22: {  	[simem:s7], [sflag:s8] =	dma.local @!p0 [hbm:s6], $0xF7A  }
0x23: {  	s9 =	sor.u32 $0xD0000000, s2;
	s6 =	simm.s32 $0x108;
	_ =	swait.ge @!p0 [sflag:s8], $0x0  }
0x24: {  	s3 =	sadd.s32 $0x88, s3;
	s6 =	simm.s32 @!p1 $0x1082;
	[sflag:s4] =	ssyncset.s32 $0xFFFFF086  }
0x25: {  	[simem:s6], [sflag:s4] =	dma.local [hbm:s3], $0xF7A  }
0x26: {  	[smem:$0x3F99] =	sst s1;
	(tag) =	ssettag s2;
	_ =	strace s9  }
0x27: {  	s1 =	sld [smem:$0x3FA9]  }
0x28: {  	s2 =	sld [smem:$0x3FAA]  }
0x29: {  	s4 =	sld [smem:$0x3FAC]  }
0x2a: {  	p0 =	seq.s32 s5, $0x0;
	s5 =	sld [smem:$0x3FAD]  }
0x2b: {  	s6 =	sld [smem:$0x3FAE]  }
0x2c: {  	s7 =	sld [smem:$0x3FAF]  }
0x2d: {  	s3 =	simm.s32 $0x108;
	s8 =	sld [smem:$0x3FB0]  }
0x2e: {  	s3 =	simm.s32 @!p0 $0x1082;
	s9 =	sld [smem:$0x3FB1]  }
0x2f: {  	lr =	sadd.s32 s0, s3;
	s0 =	sld [smem:$0x3FA8]  }
0x30: {  	s3 =	sld [smem:$0x3FAB]  }
0x31: {  	[smem:$0x3FB4] =	sst s10  }
0x32: {  	s10 =	sld [smem:$0x3FB2];
	_ =	sdelay $0x3  }
0x33: {  	p0 =	seq.s32 s10, $0x1;
	s10 =	sld [smem:$0x3FB4];
	_ =	sdelay $0x3  }
0x34: {  	[smem:$0x3FB4] =	sst s10  }
0x35: {  	s10 =	sld [smem:$0x3FB3];
	_ =	sdelay $0x3  }
0x36: {  	p1 =	seq.s32 s10, $0x1;
	s10 =	sld [smem:$0x3FB4];
	_ =	sdelay $0x3  }
0x37: {  	[smem:$0x3FB4] =	sst s10  }
0x38: {  	s10 =	sld [smem:$0x3FB5]  }
0x39: {  	_ = 	snop;
	(pc) =	sbr.ind lr, $3  }
0x3a: {  	_ = 	snop  }
0x3b: {  	_ = 	snop  }
0x3c: {  	p2 =	seq.s32 s10, $0x1;
	s10 =	sld [smem:$0x3FB4]  }
0x3d: {  	_ =	shalt  }
0x3e: {  	_ =	shalt  }
0x3f: {  	_ =	shalt  }
0x40: {  	_ =	shalt  }
0x41: {  	_ =	shalt  }
0x42: {  	_ =	shalt  }
0x43: {  	_ =	shalt  }
0x44: {  	_ =	shalt  }
0x45: {  	_ =	shalt  }
0x46: {  	_ =	shalt  }
0x47: {  	_ =	shalt  }
0x48: {  	_ =	shalt  }
0x49: {  	_ =	shalt  }
0x4a: {  	_ =	shalt  }
0x4b: {  	_ =	shalt  }
0x4c: {  	_ =	shalt  }
0x4d: {  	_ =	shalt  }
0x4e: {  	_ =	shalt  }
0x4f: {  	_ =	shalt  }
0x50: {  	_ =	shalt  }
0x51: {  	_ =	shalt  }
0x52: {  	_ =	shalt  }
0x53: {  	_ =	shalt  }
0x54: {  	_ =	shalt  }
0x55: {  	_ =	shalt  }
0x56: {  	_ =	shalt  }
0x57: {  	_ =	shalt  }
0x58: {  	_ =	shalt  }
0x59: {  	_ =	shalt  }
0x5a: {  	_ =	shalt  }
0x5b: {  	_ =	shalt  }
0x5c: {  	_ =	shalt  }
0x5d: {  	_ =	shalt  }
0x5e: {  	_ =	shalt  }
0x5f: {  	_ =	shalt  }
0x60: {  	_ =	shalt  }
0x61: {  	_ =	shalt  }
0x62: {  	_ =	shalt  }
0x63: {  	_ =	shalt  }
0x64: {  	_ =	shalt  }
0x65: {  	_ =	shalt  }
0x66: {  	_ =	shalt  }
0x67: {  	_ =	shalt  }
0x68: {  	_ =	shalt  }
0x69: {  	_ =	shalt  }
0x6a: {  	_ =	shalt  }
0x6b: {  	_ =	shalt  }
0x6c: {  	_ =	shalt  }
0x6d: {  	_ =	shalt  }
0x6e: {  	_ =	shalt  }
0x6f: {  	_ =	shalt  }
0x70: {  	_ =	shalt  }
0x71: {  	_ =	shalt  }
0x72: {  	_ =	shalt  }
0x73: {  	_ =	shalt  }
0x74: {  	_ =	shalt  }
0x75: {  	_ =	shalt  }
0x76: {  	_ =	shalt  }
0x77: {  	_ =	shalt  }
0x78: {  	_ =	shalt  }
0x79: {  	_ =	shalt  }
0x7a: {  	_ =	shalt  }
0x7b: {  	_ =	shalt  }
0x7c: {  	_ =	shalt  }
0x7d: {  	_ =	shalt  }
0x7e: {  	_ =	shalt  }
0x7f: {  	_ =	shalt  }
0x80: {  	_ =	shalt  }
0x81: {  	_ =	shalt  }
0x82: {  	_ =	shalt  }
0x83: {  	_ =	shalt  }
0x84: {  	_ =	shalt  }
0x85: {  	_ =	shalt  }
0x86: {  	_ =	shalt  }
0x87: {  	_ =	shalt  }
.Lfunc_end0:
.L_simem_size_0:
called_computation_lowered:
.L_overlay_start_0:
0x88: {  	s2 =	sld [smem:$0x3FD9]  }
0x89: {  	s3 =	sld [smem:$0x3FFE];
	_ =	sdelay $0x1  }
0x8a: {  	s1 =	srdreg.scid  }
0x8b: {  	s0 =	sand.u32 $0x1, s1  }
0x8c: {  	s16 =	sshll.u32 s0, $0xA;
	s2 =	sadd.s32 s3, s2  }
0x8d: {  	s2 =	sadd.s32 s2, s16  }
0x8e: {  	[smem:$0x3FC0] =	sst s2  }
0x8f: {  	_ = 	snop  }
0x90: {  	(tm) =	ssettm $0x1  }
0x91: {  	s17 =	sld [smem:$0x3FFB];
	_ =	sdelay $0x3  }
0x92: {  	_ =	strace s17  }
0x93: {  	s2 =	sld [smem:$0x3FFC];
	_ =	sdelay $0x3  }
0x94: {  	_ =	strace s2  }
0x95: {  	s2 =	sld [smem:$0x3FFD];
	_ =	sdelay $0x3  }
0x96: {  	_ =	strace s2  }
0x97: {  	_ =	strace $0x8FFFFFFF  }
0x98: {  	s18 =	sld [smem:$0x3FDB];
	_ =	sdelay $0x1  }
0x99: {  	s19 =	simm.s32 $_scs_section_size  }
0x9a: {  	s4 =	simm.s32 $_size__tile_overlayer_lowered;
	s5 =	simm.s32 $_tile_overlayer_lowered  }
0x9b: {  	s22 =	simm.s32 $0x1BFF;
	s21 =	sshll.u32 s5, $0x1;
	s2 =	sadd.s32 s19, s18  }
0x9c: {  	s6 =	simm.s32 $0x0;
	s20 =	sshll.u32 s4, $0x1;
	s4 =	sadd.s32 s21, s2  }
0x9d: {  	[timem:s6], [sflag:s22] =	dma.local [hbm:s4], s20  }
0x9e: {  	_ =	swait.ge [sflag:s22], s20  }
0x9f: {  	s3 =	ssub.s32 $0x0, s20;
	[sflag:s22] =	ssyncset.done $0x0  }
0xa0: {  	[sflag:s22] =	ssyncadd.s32 s3;
	_ =	sdelay $0x1  }
0xa1: {  	s23 =	simm.s32 $0x1B8B  }
0xa2: {  	_ =	swait.ge [sflag:s23], $0x1  }
0xa3: {  	[sflag:s23] =	ssyncset.done $0x0  }
0xa4: {  	s25 =	simm.s32 $0x1B8E;
	s24 =	sld [smem:$0x3FFE];
	[sflag:s23] =	ssyncadd.s32 $0xFFFFFFFF  }
0xa5: {  	s26 =	simm.s32 $execute0_lowered;
	[smem:$0x3FD2] =	sst s25  }
0xa6: {  	s4 =	sshll.u32 s26, $0x1;
	_ =	strace $0x80000046;
	[dreg:$0x1] =	wrdreg $0xFFFFFFFF  }
0xa7: {  	s28 =	simm.s32 $_size_execute0_lowered;
	s2 =	sadd.s32 s2, s4;
	[dreg:$0x0] =	wrdreg $0x0  }
0xa8: {  	s4 =	sshll.u32 s28, $0x1;
	[dreg:$0x2] =	wrdreg s2  }
0xa9: {  	[dreg:$0x3] =	wrdreg s4  }
0xaa: {  	[dreg:$0x4] =	wrdreg $0xC0  }
0xab: {  	_ =	task [dreg:s6], $0x5FFFF  }
0xac: {  	[dreg:$0x1] =	wrdreg $0xFFFFFFFF  }
0xad: {  	[dreg:$0x0] =	wrdreg $0x60  }
0xae: {  	[dreg:$0x2] =	wrdreg s24  }
0xaf: {  	[dreg:$0x3] =	wrdreg $0x9  }
0xb0: {  	_ =	task.clear_ibuf [dreg:s6], $0x4FFFF;
	_ =	strace $0x90000046  }
0xb1: {  	s29 =	simm.s32 $0x9;
	_ =	strace $0x80000048  }
0xb2: {  	_ =	swait.ge [sflag:s29], $0x1  }
0xb3: {  	[sflag:s29] =	ssyncadd.s32 $0xFFFFFFFF  }
0xb4: {  	_ =	strace $0x90000048  }
0xb5: {  	_ =	sfence  }
0xb6: {  	s30 =	sld [smem:$0x0];
	_ =	sdelay $0x2  }
0xb7: {  	s31 =	sshll.u32 s1, $0xD;
	s1 =	sshrl.u32 s1, $0x2  }
0xb8: {  	s3 =	sand.u32 $0x4000, s31;
	s1 =	sadd.s32 s1, s30  }
0xb9: {  	s0 =	sor.u32 s3, s0;
	s1 =	sshll.u32 s1, $0x11  }
0xba: {  	s0 =	sor.u32 s1, s0  }
0xbb: {  	s0 =	sadd.s32 $0x8F2B, s0  }
0xbc: {  	[sflag:s0] =	ssyncadd.remote.s32 $0x1  }
0xbd: {  	_ =	sfence.sel $0xFFFF  }
0xbe: {  	[dreg:$0x0] =	wrdreg $0xFFFFFFFF;
	(pc) =	sbr.abs _section_cstart, $3  }
0xbf: {  	[dreg:$0x1] =	wrdreg $0xFFFFFFFF  }
0xc0: {  	_ =	task.clear_ibuf [dreg:s6], $0x2FFFF;
	_ =	strace $0x9FFFFFFF  }
0xc1: {  	(tm) =	ssettm $0x7FFFFFFF  }
tec
execute0_lowered:
.L_overlay_start_1:
0x0: {  	(tag) =	ssettag $0x1  }
0x1: {  	s0 =	rddreg [dreg:$0x0];
	s2 =	simm.s32 $0x0  }
0x2: {  	s1 =	srdreg.scid;
	s3 =	stileid.u32;
	s20 =	simm.s32 $0x3  }
0x3: {  	s21 =	simm.s32 $0x400;
	s23 =	simm.s32 $0x7800;
	s25 =	simm.s32 $0xF800  }
0x4: {  	s26 =	simm.s32 $0x1;
	s29 =	simm.s32 $0x2;
	s22 =	simm.s32 $0x0  }
0x5: {  	[smem:$0x7FF] =	sst s2;
	s1 =	sand.u32 $0x1, s1;
	s3 =	sshll.u32 s3, $0x1  }
0x6: {  	_ =	strace $0x80000047;
	s4 =	sor.u32 s1, s3;
	s3 =	sadd.s32 $0x1000, s0  }
0x7: {  	s1 =	ssub.s32 $0x2, s1;
	s5 =	sshll.u32 s4, $0xB;
	s6 =	smul.u32 $0x70000, s4  }
0x8: {  	s7 =	sshrl.u32 s1, $0x1;
	s8 =	smul.u32 $0xE000, s4;
	s5 =	sadd.s32 s5, s0  }
0x9: {  	s0 =	sadd.s32 $0x3E1A00, s0;
	s1 =	ssub.s32 s1, s7;
	s6 =	sshrl.u32 s6, $0x3  }
0xa: {  	s4 =	sadd.s32 $0x3D1A00, s5;
	s5 =	sadd.s32 s0, s6;
	s6 =	smax.u32 s1, $0x1  }
0xb: {  	s0 =	sadd.s32 s0, s8;
	s1 =	simm.s32 $0x7400;
	s7 =	sadd.s32 $0xC000, s5  }
0xc: {  	s8 =	sadd.s32 $0xD000, s0;
	s9 =	sadd.s32 $0x1000, s0;
	s10 =	sadd.s32 $0x2000, s5  }
0xd: {  	v0 =	vlaneseq.u32;
	v2 =	vimm.s32 $0x0;
	s11 =	sadd.s32 $0x3000, s0;
	s12 =	sadd.s32 $0x4000, s5;
	s13 =	sadd.s32 $0x5000, s0  }
0xe: {  	vm0 =	vcmask $0x300;
	v1 =	vshrl.u32 v0, $0x2;
	v0 =	vand.u32 $0x3, v0;
	s14 =	sadd.s32 $0x6000, s5;
	s15 =	sadd.s32 $0x7000, s0;
	s16 =	sadd.s32 $0x8000, s5  }
0xf: {  	v2 =	vsel vm0, $0x80, v2;
	v1 =	vmul.u32 $0x20, v1;
	v3 =	vadd.s32 $0xFFFFFFE6, v0;
	s17 =	sadd.s32 $0x9000, s0;
	s18 =	sadd.s32 $0xA000, s5;
	s19 =	sadd.s32 $0xB000, s0  }
.LBB2_1:
0x10: {  	[tilespmem:s2], [sflag:$0x3] =	stream.linear.gather [hbm4b:s4+s2], $0x4000, $0x38;
	[tilespmem:$0x17800] =	vst v63  }
0x11: {  	_ =	swait.ge [sflag:s20], $0x4000  }
0x12: {  	[sflag:s20] =	ssyncset.done $0x0  }
0x13: {  	s30 =	simm.s32 $0x4010;
	s28 =	simm.s32 $0x0;
	[sflag:s20] =	ssyncadd.s32 $0xFFFFC000  }
.LBB2_2:
0x14: {  	s0 =	sshll.u32 s28, $0x3;
	s24 =	simm.s32 $0x0  }
0x15: {  	v4 =	vmov s0;
	v5 =	vor.u32 s24, v0  }
0x16: {  	v7 =	vadd.s32 s24, v3;
	v6 =	vshll.u32 v4, $0x5;
	vm0 =	vlt.u32 v5, $0x1A  }
0x17: {  	v4 =	vor.u32 v1, v6;
	v7 =	vsel vm0, v5, v7  }
0x18: {  	v5 =	vadd.s32 v7, v4;
	_ =	sdelay $0x4  }
0x19: {  	v8 =	vld.idx.msk [tilespmem:v5+s2+$0x0], $0xffff;
	v5 =	vor.u32 v2, v6  }
0x1a: {  	v5 =	vbroadcast v5, $0x0;
	_ =	sdelay $0x1  }
0x1b: {  	v5 =	vor.u32 v1, v5  }
0x1c: {  	v6 =	vadd.s32 v7, v5;
	_ =	sdelay $0x2  }
0x1d: {  	s31 =	simm.s32 $0x4  }
0x1e: {  	s0 =	simm.s32 $0x8;
	s24 =	smov.u32 s30;
	v7 =	vor.u32 s31, v0;
	[tilespmem:s30+$0xFFFFFFF0] =	vst v8  }
.LBB2_3:
0x1f: {  	p0 =	sne.s32 s0, $0x18;
	vm0 =	vlt.u32 v7, $0x1A;
	v8 =	vadd.s32 s31, v3;
	v6 =	vld.idx.msk [tilespmem:v6+s2+$0x0], $0xffff;
	s31 =	smov.u32 s0  }
0x20: {  	v7 =	vsel vm0, v7, v8  }
0x21: {  	v8 =	vadd.s32 v7, v4;
	_ =	sdelay $0x3  }
0x22: {  	[tilespmem:s24+$0x0] =	vst v6  }
0x23: {  	v8 =	vld.idx.msk [tilespmem:v8+s2+$0x0], $0xffff;
	_ =	sdelay $0x1  }
.Ltmp0:
0x24: {  	v6 =	vadd.s32 v7, v5;
	(pc) =	sbr.rel @p0 .LBB2_3-.Ltmp0, $3  }
0x25: {  	_ =	sdelay $0x1  }
0x26: {  	s24 =	sadd.s32 $0x20, s24  }
0x27: {  	s0 =	sadd.s32 $0x4, s0;
	v7 =	vor.u32 s31, v0;
	[tilespmem:s24+$0xFFFFFFF0] =	vst v8  }
0x28: {  	_ =	sdelay $0x2  }
0x29: {  	vm0 =	vlt.u32 v7, $0x1A;
	v8 =	vadd.s32 s31, v3  }
0x2a: {  	v6 =	vld.idx.msk [tilespmem:v6+s2+$0x0], $0xffff;
	v7 =	vsel vm0, v7, v8  }
0x2b: {  	v4 =	vadd.s32 v7, v4;
	_ =	sdelay $0x3  }
0x2c: {  	[tilespmem:s24+$0x0] =	vst v6  }
0x2d: {  	v4 =	vld.idx.msk [tilespmem:v4+s2+$0x0], $0xffff  }
0x2e: {  	v5 =	vadd.s32 v7, v5;
	_ =	sdelay $0x2  }
0x2f: {  	s0 =	sadd.s32 $0x20, s24  }
0x30: {  	s28 =	sadd.s32 $0x1, s28;
	[tilespmem:s0+$0xFFFFFFF0] =	vst v4  }
0x31: {  	p0 =	sne.s32 s28, $0x40;
	v4 =	vld.idx.msk [tilespmem:v5+s2+$0x0], $0xffff  }
.Ltmp1:
0x32: {  	_ = 	snop;
	(pc) =	sbr.rel @p0 .LBB2_2-.Ltmp1, $2  }
0x33: {  	_ =	sdelay $0x2  }
0x34: {  	s30 =	sadd.s32 $0xE0, s30;
	[tilespmem:s0+$0x0] =	vst v4  }
0x35: {  	s0 =	simm.s32 $0x4000  }
0x36: {  	[tilespmem:s23], [sflag:$0x1] =	stream.indirect.gather [hbm4b:s3+s21], $0x20, s0, s21, $0xb8;
	[tilespmem:$0x17800] =	vst v63  }
0x37: {  	s24 =	simm.s32 $0x4400  }
0x38: {  	[tilespmem:s25], [sflag:$0x2] =	stream.indirect.gather [hbm4b:s3+s21], $0x20, s24, s21, $0xb8;
	[tilespmem:$0x17800] =	vst v63  }
0x39: {  	_ =	swait.ge [sflag:s26], $0x8000  }
0x3a: {  	[sflag:s26] =	ssyncset.done $0x0  }
0x3b: {  	[sflag:s26] =	ssyncadd.s32 $0xFFFF8000  }
0x3c: {  	[hbm4b:s5+s2] =	stream.linear.scatter [tilespmem:s23], [sflag:$0x3], $0x8000, $0x38;
	[tilespmem:$0x17800] =	vst v63  }
0x3d: {  	_ =	swait.ge [sflag:s20], $0x8000  }
0x3e: {  	[sflag:s20] =	ssyncset.done $0x0  }
0x3f: {  	s28 =	simm.s32 $0x4800;
	[sflag:s20] =	ssyncadd.s32 $0xFFFF8000  }
0x40: {  	[tilespmem:s23], [sflag:$0x1] =	stream.indirect.gather [hbm4b:s3+s21], $0x20, s28, s21, $0xb8;
	[tilespmem:$0x17800] =	vst v63  }
0x41: {  	_ =	swait.ge [sflag:s29], $0x8000  }
0x42: {  	[sflag:s29] =	ssyncset.done $0x0  }
0x43: {  	[sflag:s29] =	ssyncadd.s32 $0xFFFF8000  }
0x44: {  	[hbm4b:s9+s2] =	stream.linear.scatter [tilespmem:s25], [sflag:$0x3], $0x8000, $0x38;
	[tilespmem:$0x17800] =	vst v63  }
0x45: {  	_ =	swait.ge [sflag:s20], $0x8000  }
0x46: {  	[sflag:s20] =	ssyncset.done $0x0  }
0x47: {  	s30 =	simm.s32 $0x4C00;
	[sflag:s20] =	ssyncadd.s32 $0xFFFF8000  }
0x48: {  	[tilespmem:s25], [sflag:$0x2] =	stream.indirect.gather [hbm4b:s3+s21], $0x20, s30, s21, $0xb8;
	[tilespmem:$0x17800] =	vst v63  }
0x49: {  	_ =	swait.ge [sflag:s26], $0x8000  }
0x4a: {  	[sflag:s26] =	ssyncset.done $0x0  }
0x4b: {  	[sflag:s26] =	ssyncadd.s32 $0xFFFF8000  }
0x4c: {  	[hbm4b:s10+s2] =	stream.linear.scatter [tilespmem:s23], [sflag:$0x3], $0x8000, $0x38;
	[tilespmem:$0x17800] =	vst v63  }
0x4d: {  	_ =	swait.ge [sflag:s20], $0x8000  }
0x4e: {  	[sflag:s20] =	ssyncset.done $0x0  }
0x4f: {  	s31 =	simm.s32 $0x5000;
	[sflag:s20] =	ssyncadd.s32 $0xFFFF8000  }
0x50: {  	[tilespmem:s23], [sflag:$0x1] =	stream.indirect.gather [hbm4b:s3+s21], $0x20, s31, s21, $0xb8;
	[tilespmem:$0x17800] =	vst v63  }
0x51: {  	_ =	swait.ge [sflag:s29], $0x8000  }
0x52: {  	[sflag:s29] =	ssyncset.done $0x0  }
0x53: {  	[sflag:s29] =	ssyncadd.s32 $0xFFFF8000  }
0x54: {  	[hbm4b:s11+s2] =	stream.linear.scatter [tilespmem:s25], [sflag:$0x3], $0x8000, $0x38;
	[tilespmem:$0x17800] =	vst v63  }
0x55: {  	_ =	swait.ge [sflag:s20], $0x8000  }
0x56: {  	[sflag:s20] =	ssyncset.done $0x0  }
0x57: {  	s24 =	simm.s32 $0x5400;
	[sflag:s20] =	ssyncadd.s32 $0xFFFF8000  }
0x58: {  	[tilespmem:s25], [sflag:$0x2] =	stream.indirect.gather [hbm4b:s3+s21], $0x20, s24, s21, $0xb8;
	[tilespmem:$0x17800] =	vst v63  }
0x59: {  	_ =	swait.ge [sflag:s26], $0x8000  }
0x5a: {  	[sflag:s26] =	ssyncset.done $0x0  }
0x5b: {  	[sflag:s26] =	ssyncadd.s32 $0xFFFF8000  }
0x5c: {  	[hbm4b:s12+s2] =	stream.linear.scatter [tilespmem:s23], [sflag:$0x3], $0x8000, $0x38;
	[tilespmem:$0x17800] =	vst v63  }
0x5d: {  	_ =	swait.ge [sflag:s20], $0x8000  }
0x5e: {  	[sflag:s20] =	ssyncset.done $0x0  }
0x5f: {  	s28 =	simm.s32 $0x5800;
	[sflag:s20] =	ssyncadd.s32 $0xFFFF8000  }
0x60: {  	[tilespmem:s23], [sflag:$0x1] =	stream.indirect.gather [hbm4b:s3+s21], $0x20, s28, s21, $0xb8;
	[tilespmem:$0x17800] =	vst v63  }
0x61: {  	_ =	swait.ge [sflag:s29], $0x8000  }
0x62: {  	[sflag:s29] =	ssyncset.done $0x0  }
0x63: {  	[sflag:s29] =	ssyncadd.s32 $0xFFFF8000  }
0x64: {  	[hbm4b:s13+s2] =	stream.linear.scatter [tilespmem:s25], [sflag:$0x3], $0x8000, $0x38;
	[tilespmem:$0x17800] =	vst v63  }
0x65: {  	_ =	swait.ge [sflag:s20], $0x8000  }
0x66: {  	[sflag:s20] =	ssyncset.done $0x0  }
0x67: {  	s30 =	simm.s32 $0x5C00;
	[sflag:s20] =	ssyncadd.s32 $0xFFFF8000  }
0x68: {  	[tilespmem:s25], [sflag:$0x2] =	stream.indirect.gather [hbm4b:s3+s21], $0x20, s30, s21, $0xb8;
	[tilespmem:$0x17800] =	vst v63  }
0x69: {  	_ =	swait.ge [sflag:s26], $0x8000  }
0x6a: {  	[sflag:s26] =	ssyncset.done $0x0  }
0x6b: {  	[sflag:s26] =	ssyncadd.s32 $0xFFFF8000  }
0x6c: {  	[hbm4b:s14+s2] =	stream.linear.scatter [tilespmem:s23], [sflag:$0x3], $0x8000, $0x38;
	[tilespmem:$0x17800] =	vst v63  }
0x6d: {  	_ =	swait.ge [sflag:s20], $0x8000  }
0x6e: {  	[sflag:s20] =	ssyncset.done $0x0  }
0x6f: {  	s31 =	simm.s32 $0x6000;
	[sflag:s20] =	ssyncadd.s32 $0xFFFF8000  }
0x70: {  	[tilespmem:s23], [sflag:$0x1] =	stream.indirect.gather [hbm4b:s3+s21], $0x20, s31, s21, $0xb8;
	[tilespmem:$0x17800] =	vst v63  }
0x71: {  	_ =	swait.ge [sflag:s29], $0x8000  }
0x72: {  	[sflag:s29] =	ssyncset.done $0x0  }
0x73: {  	[sflag:s29] =	ssyncadd.s32 $0xFFFF8000  }
0x74: {  	[hbm4b:s15+s2] =	stream.linear.scatter [tilespmem:s25], [sflag:$0x3], $0x8000, $0x38;
	[tilespmem:$0x17800] =	vst v63  }
0x75: {  	_ =	swait.ge [sflag:s20], $0x8000  }
0x76: {  	[sflag:s20] =	ssyncset.done $0x0  }
0x77: {  	s24 =	simm.s32 $0x6400;
	[sflag:s20] =	ssyncadd.s32 $0xFFFF8000  }
0x78: {  	[tilespmem:s25], [sflag:$0x2] =	stream.indirect.gather [hbm4b:s3+s21], $0x20, s24, s21, $0xb8;
	[tilespmem:$0x17800] =	vst v63  }
0x79: {  	_ =	swait.ge [sflag:s26], $0x8000  }
0x7a: {  	[sflag:s26] =	ssyncset.done $0x0  }
0x7b: {  	[sflag:s26] =	ssyncadd.s32 $0xFFFF8000  }
0x7c: {  	[hbm4b:s16+s2] =	stream.linear.scatter [tilespmem:s23], [sflag:$0x3], $0x8000, $0x38;
	[tilespmem:$0x17800] =	vst v63  }
0x7d: {  	_ =	swait.ge [sflag:s20], $0x8000  }
0x7e: {  	[sflag:s20] =	ssyncset.done $0x0  }
0x7f: {  	s28 =	simm.s32 $0x6800;
	[sflag:s20] =	ssyncadd.s32 $0xFFFF8000  }
0x80: {  	[tilespmem:s23], [sflag:$0x1] =	stream.indirect.gather [hbm4b:s3+s21], $0x20, s28, s21, $0xb8;
	[tilespmem:$0x17800] =	vst v63  }
0x81: {  	_ =	swait.ge [sflag:s29], $0x8000  }
0x82: {  	[sflag:s29] =	ssyncset.done $0x0  }
0x83: {  	[sflag:s29] =	ssyncadd.s32 $0xFFFF8000  }
0x84: {  	[hbm4b:s17+s2] =	stream.linear.scatter [tilespmem:s25], [sflag:$0x3], $0x8000, $0x38;
	[tilespmem:$0x17800] =	vst v63  }
0x85: {  	_ =	swait.ge [sflag:s20], $0x8000  }
0x86: {  	[sflag:s20] =	ssyncset.done $0x0  }
0x87: {  	s30 =	simm.s32 $0x6C00;
	[sflag:s20] =	ssyncadd.s32 $0xFFFF8000  }
0x88: {  	[tilespmem:s25], [sflag:$0x2] =	stream.indirect.gather [hbm4b:s3+s21], $0x20, s30, s21, $0xb8;
	[tilespmem:$0x17800] =	vst v63  }
0x89: {  	_ =	swait.ge [sflag:s26], $0x8000  }
0x8a: {  	[sflag:s26] =	ssyncset.done $0x0  }
0x8b: {  	[sflag:s26] =	ssyncadd.s32 $0xFFFF8000  }
0x8c: {  	[hbm4b:s18+s2] =	stream.linear.scatter [tilespmem:s23], [sflag:$0x3], $0x8000, $0x38;
	[tilespmem:$0x17800] =	vst v63  }
0x8d: {  	_ =	swait.ge [sflag:s20], $0x8000  }
0x8e: {  	[sflag:s20] =	ssyncset.done $0x0  }
0x8f: {  	s31 =	simm.s32 $0x7000;
	[sflag:s20] =	ssyncadd.s32 $0xFFFF8000  }
0x90: {  	[tilespmem:s23], [sflag:$0x1] =	stream.indirect.gather [hbm4b:s3+s21], $0x20, s31, s21, $0xb8;
	[tilespmem:$0x17800] =	vst v63  }
0x91: {  	_ =	swait.ge [sflag:s29], $0x8000  }
0x92: {  	[sflag:s29] =	ssyncset.done $0x0  }
0x93: {  	[sflag:s29] =	ssyncadd.s32 $0xFFFF8000  }
0x94: {  	[hbm4b:s19+s2] =	stream.linear.scatter [tilespmem:s25], [sflag:$0x3], $0x8000, $0x38;
	[tilespmem:$0x17800] =	vst v63  }
0x95: {  	_ =	swait.ge [sflag:s20], $0x8000  }
0x96: {  	[sflag:s20] =	ssyncset.done $0x0  }
0x97: {  	[sflag:s20] =	ssyncadd.s32 $0xFFFF8000  }
0x98: {  	[tilespmem:s25], [sflag:$0x2] =	stream.indirect.gather [hbm4b:s3+s21], $0x20, s1, s21, $0xb8;
	[tilespmem:$0x17800] =	vst v63  }
0x99: {  	_ =	swait.ge [sflag:s26], $0x8000  }
0x9a: {  	[sflag:s26] =	ssyncset.done $0x0  }
0x9b: {  	[sflag:s26] =	ssyncadd.s32 $0xFFFF8000  }
0x9c: {  	[hbm4b:s7+s2] =	stream.linear.scatter [tilespmem:s23], [sflag:$0x3], $0x8000, $0x38;
	[tilespmem:$0x17800] =	vst v63  }
0x9d: {  	_ =	swait.ge [sflag:s20], $0x8000  }
0x9e: {  	[sflag:s20] =	ssyncset.done $0x0  }
0x9f: {  	[sflag:s20] =	ssyncadd.s32 $0xFFFF8000  }
0xa0: {  	s22 =	sadd.s32 $0x1, s22;
	_ =	swait.ge [sflag:s29], $0x8000  }
0xa1: {  	p0 =	sne.s32 s22, s6;
	[sflag:s29] =	ssyncset.done $0x0  }
.Ltmp2:
0xa2: {  	[sflag:s29] =	ssyncadd.s32 $0xFFFF8000;
	(pc) =	sbr.rel @p0 .LBB2_1-.Ltmp2, $4  }
0xa3: {  	[hbm4b:s8+s2] =	stream.linear.scatter [tilespmem:s25], [sflag:$0x3], $0x8000, $0x38;
	[tilespmem:$0x17800] =	vst v63  }
0xa4: {  	_ =	swait.ge [sflag:s20], $0x8000  }
0xa5: {  	[sflag:s20] =	ssyncset.done $0x0  }
0xa6: {  	[sflag:s20] =	ssyncadd.s32 $0xFFFF8000  }
0xa7: {  	_ =	sfence.sel $0x180000  }
0xa8: {  	[bflag:$0x0] =	sbarrier.arrive $0xFFFF  }
0xa9: {  	_ =	strace $0x90000047  }
0xaa: {  	s0 =	stileid.u32;
	[bflag:$0x2] =	sbarrier.arrive $0xFFFF  }
0xab: {  	p0 =	sne.s32 s0, $0x0;
	s0 =	rddreg [dreg:$0x1]  }
0xac: {  	s0 =	sadd.s32 @!p0 $0x100000, s0  }
0xad: {  	[sflag:s0] =	ssyncadd.tile.s32 @!p0 $0x1;
	_ =	shalt  }
.Lfunc_end2:
_tile_overlayer_lowered:
.L_overlay_start_2:
0xae: {  	(tag) =	ssettag $0x2  }
0xaf: {  	s0 =	rddreg [dreg:$0x0];
	s2 =	stileid.u32  }
0xb0: {  	s1 =	rddreg [dreg:$0x1];
	p0 =	sne.s32 s2, $0x0  }
0xb1: {  	s3 =	rddreg [dreg:$0x2];
	[bflag:$0x3] =	sbarrier.arrive $0xFFFF;
	s2 =	simm.s32 @!p0 $0x1C03  }
0xb2: {  	[timem:s3], [sflag:s2] =	dma.local @!p0 [hbm:s0], s1  }
0xb3: {  	s0 =	simm.s32 @!p0 $0x3  }
0xb4: {  	_ =	swait.ge @!p0 [sflag:s0], s1  }
0xb5: {  	s1 =	ssub.s32 @!p0 $0x0, s1;
	[sflag:s0] =	ssyncset.done @!p0 $0x0  }
0xb6: {  	[sflag:s0] =	ssyncadd.s32 @!p0 s1  }
0xb7: {  	[bflag:$0x3] =	sbarrier.arrive $0xFFFF  }
0xb8: {  	_ =	shalt  }

</sc_bundles>
